<compile_context>
chip_gen: v7x
topology: tpu7x:2x2x1
jax: 0.10.2.dev20260603
libtpu: 0.0.44.dev20260713+nightly
codegen_flags: <defaults>
</compile_context>

<pallas_src>
import functools

import jax
import jax.numpy as jnp
from jax import lax
from jax.experimental import pallas as pl
from jax.experimental.pallas import tpu as pltpu
from jax.experimental.pallas import tpu_sc as plsc

N = 10000
E = 320000
D = 128
H = 128
C = 10
G = 64

NCORE = 2
NSUB = 16
NT = NCORE * NSUB
K = 128
EPT = 10240
NCHUNK = EPT // K
N2 = 10240

RPT = E // NT
NFULL = RPT // K
RTAIL = RPT - NFULL * K
PPT = EPT - RPT
RSLC = N2 // NSUB


def _fire_one(j, p, wid, base, ei_h, pad_h, bufs, sem_i):
    @pl.when(j < NFULL)
    def _():
        pltpu.async_copy(ei_h.at[pl.ds(base + wid * RPT + j * K, K)],
                         bufs[p], sem_i[p])

    @pl.when(j == NFULL)
    def _():
        pltpu.async_copy(
            ei_h.at[pl.ds(base + wid * RPT + NFULL * K, RTAIL)],
            bufs[p].at[pl.ds(0, RTAIL)], sem_i[p])
        pltpu.async_copy(pad_h.at[pl.ds(wid * PPT, K - RTAIL)],
                         bufs[p].at[pl.ds(RTAIL, K - RTAIL)], sem_i[p])

    @pl.when(j == NFULL + 1)
    def _():
        pltpu.async_copy(pad_h.at[pl.ds(wid * PPT + K - RTAIL, K)],
                         bufs[p], sem_i[p])


def _sc_p1_body(x_hbm, ei_h, psrc_h, pdst_h, zacc, acc_out,
                acc_sh, src0, src1, dst0, dst1, rows0, rows1,
                sem_i0, sem_i1, sem_g0, sem_g1):
    cid = lax.axis_index("c")
    sid = lax.axis_index("s")
    wid = cid * NSUB + sid
    srcs = (src0, src1)
    dsts = (dst0, dst1)
    rows = (rows0, rows1)
    sem_i = (sem_i0, sem_i1)
    sem_g = (sem_g0, sem_g1)
    rslice = pl.ds(sid * RSLC, RSLC)

    pltpu.sync_copy(zacc.at[rslice], acc_sh.at[rslice])
    plsc.subcore_barrier()

    def fire_idx(j, p):
        _fire_one(j, p, wid, 0, ei_h, psrc_h, srcs, sem_i)
        _fire_one(j, p, wid, E, ei_h, pdst_h, dsts, sem_i)

    def wait_idx(p):
        pltpu.make_async_copy(ei_h.at[pl.ds(0, K)], srcs[p], sem_i[p]).wait()
        pltpu.make_async_copy(ei_h.at[pl.ds(0, K)], dsts[p], sem_i[p]).wait()

    fire_idx(0, 0)
    wait_idx(0)
    pltpu.async_copy(x_hbm.at[src0], rows0, sem_g0)
    fire_idx(1, 1)

    def half(j, p):
        q = 1 - p

        @pl.when(j + 1 < NCHUNK)
        def _():
            wait_idx(q)
            pltpu.async_copy(x_hbm.at[srcs[q]], rows[q], sem_g[q])

        pltpu.make_async_copy(x_hbm.at[srcs[p]], rows[p], sem_g[p]).wait()
        pltpu.sync_copy(rows[p], acc_sh.at[dsts[p]], add=True)

        @pl.when(j + 2 < NCHUNK)
        def _():
            fire_idx(j + 2, p)

    def step(t, c):
        half(2 * t, 0)
        half(2 * t + 1, 1)
        return c

    with jax.named_scope("sc_phase1_features"):
        lax.fori_loop(0, NCHUNK // 2, step, 0)
    plsc.subcore_barrier()
    pltpu.sync_copy(acc_sh.at[rslice], acc_out.at[cid, rslice])


def _sc_p2_body(ei_h, pdst_h, zacc, ones_hbm, deg_out,
                acc_sh, dst0, dst1, ones_v, sem_i0, sem_i1):
    cid = lax.axis_index("c")
    sid = lax.axis_index("s")
    wid = cid * NSUB + sid
    dsts = (dst0, dst1)
    sem_i = (sem_i0, sem_i1)
    rslice = pl.ds(sid * RSLC, RSLC)

    pltpu.sync_copy(zacc.at[rslice], acc_sh.at[rslice])
    pltpu.sync_copy(ones_hbm, ones_v)
    plsc.subcore_barrier()

    _fire_one(0, 0, wid, E, ei_h, pdst_h, dsts, sem_i)

    def dhalf(j, p):
        q = 1 - p

        @pl.when(j + 1 < NCHUNK)
        def _():
            _fire_one(j + 1, q, wid, E, ei_h, pdst_h, dsts, sem_i)

        pltpu.make_async_copy(ei_h.at[pl.ds(0, K)], dsts[p], sem_i[p]).wait()
        pltpu.sync_copy(ones_v, acc_sh.at[dsts[p]], add=True)

    def dstep(t, c):
        dhalf(2 * t, 0)
        dhalf(2 * t + 1, 1)
        return c

    with jax.named_scope("sc_phase2_degrees"):
        lax.fori_loop(0, NCHUNK // 2, dstep, 0)
    plsc.subcore_barrier()
    pltpu.sync_copy(acc_sh.at[rslice], deg_out.at[cid, rslice])


def _tc_a_body(acc_ref, wg_ref, y_ref):
    y_ref[...] = jnp.dot(acc_ref[0] + acc_ref[1], wg_ref[...],
                         precision=lax.Precision.HIGHEST,
                         preferred_element_type=jnp.float32)


def _tc_b_body(y_ref, deg_ref, batch_ref, bg_ref, w1_ref, b1_ref,
               w2_ref, b2_ref, out_ref):
    prec = lax.Precision.HIGHEST
    deg = deg_ref[0, :, 0:1] + deg_ref[1, :, 0:1]
    degc = jnp.maximum(deg, 1.0)
    h = jnp.maximum(y_ref[...] / degc + bg_ref[...], 0.0)

    onehot = (batch_ref[...] ==
              lax.broadcasted_iota(jnp.int32, (G, N2), 0)).astype(jnp.float32)
    pooled = jnp.dot(onehot, h, precision=prec,
                     preferred_element_type=jnp.float32)
    cnt = jnp.dot(onehot, jnp.full((N2, 1), 1.0, jnp.float32),
                  precision=prec, preferred_element_type=jnp.float32)
    gmean = pooled / jnp.maximum(cnt, 1.0)

    h1 = jnp.maximum(
        jnp.dot(gmean, w1_ref[...], precision=prec,
                preferred_element_type=jnp.float32) + b1_ref[...], 0.0)
    out_ref[...] = jnp.dot(h1, w2_ref[...], precision=prec,
                           preferred_element_type=jnp.float32) + b2_ref[...]


@functools.lru_cache(maxsize=1)
def _sc_p1():
    return pl.kernel(
        _sc_p1_body,
        out_type=jax.ShapeDtypeStruct((NCORE, N2, D), jnp.float32),
        mesh=plsc.VectorSubcoreMesh(core_axis_name="c",
                                    subcore_axis_name="s"),
        scratch_types=[
            pltpu.VMEM_SHARED((N2, D), jnp.float32),
            pltpu.VMEM((K,), jnp.int32),
            pltpu.VMEM((K,), jnp.int32),
            pltpu.VMEM((K,), jnp.int32),
            pltpu.VMEM((K,), jnp.int32),
            pltpu.VMEM((K, D), jnp.float32),
            pltpu.VMEM((K, D), jnp.float32),
            pltpu.SemaphoreType.DMA,
            pltpu.SemaphoreType.DMA,
            pltpu.SemaphoreType.DMA,
            pltpu.SemaphoreType.DMA,
        ],
    )


@functools.lru_cache(maxsize=1)
def _sc_p2():
    return pl.kernel(
        _sc_p2_body,
        out_type=jax.ShapeDtypeStruct((NCORE, N2, D), jnp.float32),
        mesh=plsc.VectorSubcoreMesh(core_axis_name="c",
                                    subcore_axis_name="s"),
        scratch_types=[
            pltpu.VMEM_SHARED((N2, D), jnp.float32),
            pltpu.VMEM((K,), jnp.int32),
            pltpu.VMEM((K,), jnp.int32),
            pltpu.VMEM((K, D), jnp.float32),
            pltpu.SemaphoreType.DMA,
            pltpu.SemaphoreType.DMA,
        ],
    )


_tc_a = pl.pallas_call(
    _tc_a_body,
    out_shape=jax.ShapeDtypeStruct((N2, D), jnp.float32),
)

_tc_b = pl.pallas_call(
    _tc_b_body,
    out_shape=jax.ShapeDtypeStruct((G, C), jnp.float32),
)


def kernel(x, edge_index, batch, W_gnn, b_gnn, W1, b1, W2, b2):
    rpt = (N2 - N) // NSUB
    pad_src = jnp.broadcast_to(
        (jnp.arange(PPT, dtype=jnp.int32) * 37) % N, (NT, PPT)).reshape(-1)
    tile_in_core = (jnp.arange(NT, dtype=jnp.int32) % NSUB)
    pad_dst = (N + tile_in_core[:, None] * rpt
               + jnp.arange(PPT, dtype=jnp.int32)[None, :] % rpt
               ).astype(jnp.int32).reshape(-1)
    zacc = jnp.zeros((N2, D), jnp.float32)
    ones = jnp.ones((K, D), jnp.float32)
    ei = edge_index.reshape(-1)

    acc_part = _sc_p1()(x, ei, pad_src, pad_dst, zacc)
    deg_part = _sc_p2()(ei, pad_dst, zacc, ones)
    y = _tc_a(acc_part, W_gnn)

    batch2 = jnp.concatenate(
        [batch, jnp.full((N2 - N,), G, jnp.int32)]).reshape(1, N2)
    return _tc_b(y, deg_part, batch2, b_gnn.reshape(1, D),
                 W1, b1.reshape(1, H), W2, b2.reshape(1, C))

# --- scband reference (transcript-rebuilt; emitter-appended) ---
"""Pipeline reference for scband-gnnclassifier-85607288144370 (READ-ONLY COPY).

The authoritative reference and input builder live on the scoring server;
editing this copy changes nothing except your own understanding.
"""

import jax, jax.numpy as jnp
import numpy as np

N = 10000   # nodes
E = 320000  # edges
D = 128     # feature dim (gnn in/out)
H = 128     # classifier hidden dim
C = 10      # num classes
G = 64      # num graphs in batch


def setup_inputs(seed: int = 0) -> dict:
    key = jax.random.key(seed)
    ks = jax.random.split(key, 10)
    x = jax.random.normal(ks[0], (N, D), dtype=jnp.float32)
    edge_index = jax.random.randint(ks[1], (2, E), 0, N, dtype=jnp.int32)
    batch = jnp.sort(jax.random.randint(ks[2], (N,), 0, G, dtype=jnp.int32))
    # learned parameters
    W_gnn = jax.random.normal(ks[3], (D, D), dtype=jnp.float32) * 0.05
    b_gnn = jnp.zeros((D,), dtype=jnp.float32)
    W1 = jax.random.normal(ks[4], (D, H), dtype=jnp.float32) * 0.05
    b1 = jnp.zeros((H,), dtype=jnp.float32)
    W2 = jax.random.normal(ks[5], (H, C), dtype=jnp.float32) * 0.05
    b2 = jnp.zeros((C,), dtype=jnp.float32)
    return {"x": x, "edge_index": edge_index, "batch": batch,
            "W_gnn": W_gnn, "b_gnn": b_gnn, "W1": W1, "b1": b1, "W2": W2, "b2": b2}


def reference(x, edge_index, batch, W_gnn, b_gnn, W1, b1, W2, b2):
    src = edge_index[0]
    dst = edge_index[1]
    # --- GNN layer: mean aggregation over incoming edges + linear + relu ---
    msg = jnp.take(x, src, axis=0)                              # gather  [E, D]
    agg = jax.ops.segment_sum(msg, dst, num_segments=N)         # scatter-add [N, D]
    deg = jax.ops.segment_sum(jnp.ones((E,), dtype=x.dtype), dst, num_segments=N)
    agg = agg / jnp.maximum(deg, 1.0)[:, None]
    h = jax.nn.relu(agg @ W_gnn + b_gnn)                        # [N, D]
    # --- global mean pooling per graph ---
    pooled = jax.ops.segment_sum(h, batch, num_segments=G)      # [G, D]
    cnt = jax.ops.segment_sum(jnp.ones((N,), dtype=h.dtype), batch, num_segments=G)
    g = pooled / jnp.maximum(cnt, 1.0)[:, None]
    # --- classification head (num_layers=2, dropout is identity in eval) ---
    h1 = jax.nn.relu(g @ W1 + b1)                               # [G, H]
    logits = h1 @ W2 + b2                                       # [G, C]
    return logits

if __name__ == "__main__":
    import jax
    _d = setup_inputs()
    print(jax.jit(kernel)(*tuple(_d.values())))

</pallas_src>

<mosaic_0001>
#map = affine_map<(d0, d1) -> (0)>
#map1 = affine_map<(d0, d1) -> (0, 0)>
#map2 = affine_map<(d0, d1) -> (0, 0, 0)>
module attributes {stable_mosaic.version = 14 : i64} {
  func.func @_sc_p2_body(%arg0: i32, %arg1: i32, %arg2: memref<640000xi32, #tpu.memory_space<hbm>>, %arg3: memref<7680xi32, #tpu.memory_space<hbm>>, %arg4: memref<10240x128xf32, #tpu.memory_space<hbm>>, %arg5: memref<128x128xf32, #tpu.memory_space<hbm>>, %arg6: memref<2x10240x128xf32, #tpu.memory_space<hbm>>, %arg7: memref<10240x128xf32, #tpu.memory_space<vmem_shared>>, %arg8: memref<128xi32, #tpu.memory_space<vmem>>, %arg9: memref<128xi32, #tpu.memory_space<vmem>>, %arg10: memref<128x128xf32, #tpu.memory_space<vmem>>, %arg11: memref<!tpu.dma_semaphore, #tpu.memory_space<semaphore_mem>>, %arg12: memref<!tpu.dma_semaphore, #tpu.memory_space<semaphore_mem>>) attributes {dimension_semantics = [#tpu.dimension_semantics<core_parallel>, #tpu.dimension_semantics<subcore_parallel>], iteration_bounds = array<i64: 2, 16>, scalar_prefetch = 0 : i64, scratch_operands = 6 : i64, tpu.core_type = #tpu.core_type<sc_vector_subcore>, window_params = [{transform_indices = #map}, {transform_indices = #map}, {transform_indices = #map1}, {transform_indices = #map1}, {transform_indices = #map2}]} {
    %mul3A = arith.constant 16 : i32
    %mul3A_0 = arith.muli %arg0, %mul3A : i32
    %add3A = arith.addi %mul3A_0, %arg1 : i32
    %mul3A_1 = arith.constant 640 : i32
    %mul3A_2 = arith.muli %arg1, %mul3A_1 : i32
    "tpu.region"() ({
      %run_scoped3A = tpu.sem_alloc : memref<!tpu.dma_semaphore, #tpu.memory_space<semaphore_mem>>
      %dma_start3A_16 = arith.constant 0 : i32
      %dma_start3A_17 = tpu.memref_slice %arg7[%mul3A_2, %dma_start3A_16] : memref<10240x128xf32, #tpu.memory_space<vmem_shared>> -> memref<640x128xf32, #tpu.memory_space<vmem_shared>>
      %dma_start3A_18 = arith.constant 0 : i32
      %dma_start3A_19 = tpu.memref_slice %arg4[%mul3A_2, %dma_start3A_18] : memref<10240x128xf32, #tpu.memory_space<hbm>> -> memref<640x128xf32, #tpu.memory_space<hbm>>
      tpu.enqueue_dma source(%dma_start3A_19 : memref<640x128xf32, #tpu.memory_space<hbm>>) target(%dma_start3A_17 : memref<640x128xf32, #tpu.memory_space<vmem_shared>>) target_semaphore(%run_scoped3A : memref<!tpu.dma_semaphore, #tpu.memory_space<semaphore_mem>>)
      %dma_wait3A = arith.constant 0 : i32
      %dma_wait3A_20 = tpu.memref_slice %arg7[%mul3A_2, %dma_wait3A] : memref<10240x128xf32, #tpu.memory_space<vmem_shared>> -> memref<640x128xf32, #tpu.memory_space<vmem_shared>>
      %dma_wait3A_21 = arith.constant 0 : i32
      %dma_wait3A_22 = tpu.memref_slice %arg4[%mul3A_2, %dma_wait3A_21] : memref<10240x128xf32, #tpu.memory_space<hbm>> -> memref<640x128xf32, #tpu.memory_space<hbm>>
      tpu.wait_dma2 semaphore(%run_scoped3A : memref<!tpu.dma_semaphore, #tpu.memory_space<semaphore_mem>>) src(%dma_wait3A_22 : memref<640x128xf32, #tpu.memory_space<hbm>>) dst(%dma_wait3A_20 : memref<640x128xf32, #tpu.memory_space<vmem_shared>>)
      tpu.yield
    }) : () -> ()
    "tpu.region"() ({
      %run_scoped3A = tpu.sem_alloc : memref<!tpu.dma_semaphore, #tpu.memory_space<semaphore_mem>>
      tpu.enqueue_dma source(%arg5 : memref<128x128xf32, #tpu.memory_space<hbm>>) target(%arg10 : memref<128x128xf32, #tpu.memory_space<vmem>>) target_semaphore(%run_scoped3A : memref<!tpu.dma_semaphore, #tpu.memory_space<semaphore_mem>>)
      tpu.wait_dma2 semaphore(%run_scoped3A : memref<!tpu.dma_semaphore, #tpu.memory_space<semaphore_mem>>) src(%arg5 : memref<128x128xf32, #tpu.memory_space<hbm>>) dst(%arg10 : memref<128x128xf32, #tpu.memory_space<vmem>>)
      tpu.yield
    }) : () -> ()
    %barrier3A = arith.constant 0 : index
    tpu.barrier barrier_id(%barrier3A)
    %mul3A_3 = arith.constant 10000 : i32
    %mul3A_4 = arith.muli %add3A, %mul3A_3 : i32
    %add3A_5 = arith.constant 320000 : i32
    %add3A_6 = arith.addi %add3A_5, %mul3A_4 : i32
    %add3A_7 = arith.constant 0 : i32
    %add3A_8 = arith.addi %add3A_6, %add3A_7 : i32
    %dma_start3A = tpu.memref_slice %arg2[%add3A_8] : memref<640000xi32, #tpu.memory_space<hbm>> -> memref<128xi32, #tpu.memory_space<hbm>>
    %dma_start3A_9 = tpu.memref_slice %arg2[%add3A_8] : memref<640000xi32, #tpu.memory_space<hbm>> -> memref<128xi32, #tpu.memory_space<hbm>>
    tpu.enqueue_dma source(%dma_start3A_9 : memref<128xi32, #tpu.memory_space<hbm>>) target(%arg8 : memref<128xi32, #tpu.memory_space<vmem>>) target_semaphore(%arg11 : memref<!tpu.dma_semaphore, #tpu.memory_space<semaphore_mem>>)
    "tpu.trace_start"() <{level = 10 : i32, message = "sc_phase2_degrees"}> : () -> ()
    %scan3A = arith.constant 0 : i32
    %scan3A_10 = arith.constant 0 : i32
    %scan3A_11 = arith.constant 40 : i32
    %scan3A_12 = arith.addi %scan3A_10, %scan3A_11 : i32
    %scan3A_13 = arith.constant 1 : i32
    scf.for %scan3A_16 = %scan3A_10 to %scan3A_12 step %scan3A_13  : i32 {
      %mul3A_17 = arith.constant 2 : i32
      %mul3A_18 = arith.muli %mul3A_17, %scan3A_16 : i32
      %add3A_19 = arith.constant 1 : i32
      %add3A_20 = arith.addi %mul3A_18, %add3A_19 : i32
      %lt3A = arith.constant 80 : i32
      %lt3A_21 = arith.cmpi slt, %add3A_20, %lt3A : i32
      %convert_element_type3A = arith.extui %lt3A_21 : i1 to i32
      %cond3A = arith.constant 0 : i32
      %cond3A_22 = arith.cmpi ne, %convert_element_type3A, %cond3A : i32
      scf.if %cond3A_22 {
        %add3A_41 = arith.constant 1 : i32
        %add3A_42 = arith.addi %mul3A_18, %add3A_41 : i32
        %lt3A_43 = arith.constant 78 : i32
        %lt3A_44 = arith.cmpi slt, %add3A_42, %lt3A_43 : i32
        %convert_element_type3A_45 = arith.extui %lt3A_44 : i1 to i32
        %cond3A_46 = arith.constant 0 : i32
        %cond3A_47 = arith.cmpi ne, %convert_element_type3A_45, %cond3A_46 : i32
        scf.if %cond3A_47 {
          %mul3A_57 = arith.constant 10000 : i32
          %mul3A_58 = arith.muli %add3A, %mul3A_57 : i32
          %add3A_59 = arith.constant 320000 : i32
          %add3A_60 = arith.addi %add3A_59, %mul3A_58 : i32
          %mul3A_61 = arith.constant 128 : i32
          %mul3A_62 = arith.muli %add3A_42, %mul3A_61 : i32
          %add3A_63 = arith.addi %add3A_60, %mul3A_62 : i32
          %dma_start3A_64 = tpu.memref_slice %arg2[%add3A_63] : memref<640000xi32, #tpu.memory_space<hbm>> -> memref<128xi32, #tpu.memory_space<hbm>>
          %dma_start3A_65 = tpu.memref_slice %arg2[%add3A_63] : memref<640000xi32, #tpu.memory_space<hbm>> -> memref<128xi32, #tpu.memory_space<hbm>>
          tpu.enqueue_dma source(%dma_start3A_65 : memref<128xi32, #tpu.memory_space<hbm>>) target(%arg9 : memref<128xi32, #tpu.memory_space<vmem>>) target_semaphore(%arg12 : memref<!tpu.dma_semaphore, #tpu.memory_space<semaphore_mem>>)
        } else {
        }
        %eq3A = arith.constant 78 : i32
        %eq3A_48 = arith.cmpi eq, %add3A_42, %eq3A : i32
        %convert_element_type3A_49 = arith.extui %eq3A_48 : i1 to i32
        %cond3A_50 = arith.constant 0 : i32
        %cond3A_51 = arith.cmpi ne, %convert_element_type3A_49, %cond3A_50 : i32
        scf.if %cond3A_51 {
          %mul3A_57 = arith.constant 10000 : i32
          %mul3A_58 = arith.muli %add3A, %mul3A_57 : i32
          %add3A_59 = arith.constant 320000 : i32
          %add3A_60 = arith.addi %add3A_59, %mul3A_58 : i32
          %add3A_61 = arith.constant 9984 : i32
          %add3A_62 = arith.addi %add3A_60, %add3A_61 : i32
          %dma_start3A_63 = arith.constant 0 : i32
          %dma_start3A_64 = tpu.memref_slice %arg9[%dma_start3A_63] : memref<128xi32, #tpu.memory_space<vmem>> -> memref<16xi32, #tpu.memory_space<vmem>>
          %dma_start3A_65 = tpu.memref_slice %arg2[%add3A_62] : memref<640000xi32, #tpu.memory_space<hbm>> -> memref<16xi32, #tpu.memory_space<hbm>>
          %dma_start3A_66 = arith.constant 0 : i32
          %dma_start3A_67 = tpu.memref_slice %arg9[%dma_start3A_66] : memref<128xi32, #tpu.memory_space<vmem>> -> memref<16xi32, #tpu.memory_space<vmem>>
          %dma_start3A_68 = tpu.memref_slice %arg2[%add3A_62] : memref<640000xi32, #tpu.memory_space<hbm>> -> memref<16xi32, #tpu.memory_space<hbm>>
          tpu.enqueue_dma source(%dma_start3A_68 : memref<16xi32, #tpu.memory_space<hbm>>) target(%dma_start3A_67 : memref<16xi32, #tpu.memory_space<vmem>>) target_semaphore(%arg12 : memref<!tpu.dma_semaphore, #tpu.memory_space<semaphore_mem>>)
          %mul3A_69 = arith.constant 240 : i32
          %mul3A_70 = arith.muli %add3A, %mul3A_69 : i32
          %dma_start3A_71 = arith.constant 16 : i32
          %dma_start3A_72 = tpu.memref_slice %arg9[%dma_start3A_71] : memref<128xi32, #tpu.memory_space<vmem>> -> memref<112xi32, #tpu.memory_space<vmem>>
          %dma_start3A_73 = tpu.memref_slice %arg3[%mul3A_70] : memref<7680xi32, #tpu.memory_space<hbm>> -> memref<112xi32, #tpu.memory_space<hbm>>
          %dma_start3A_74 = arith.constant 16 : i32
          %dma_start3A_75 = tpu.memref_slice %arg9[%dma_start3A_74] : memref<128xi32, #tpu.memory_space<vmem>> -> memref<112xi32, #tpu.memory_space<vmem>>
          %dma_start3A_76 = tpu.memref_slice %arg3[%mul3A_70] : memref<7680xi32, #tpu.memory_space<hbm>> -> memref<112xi32, #tpu.memory_space<hbm>>
          tpu.enqueue_dma source(%dma_start3A_76 : memref<112xi32, #tpu.memory_space<hbm>>) target(%dma_start3A_75 : memref<112xi32, #tpu.memory_space<vmem>>) target_semaphore(%arg12 : memref<!tpu.dma_semaphore, #tpu.memory_space<semaphore_mem>>)
        } else {
        }
        %eq3A_52 = arith.constant 79 : i32
        %eq3A_53 = arith.cmpi eq, %add3A_42, %eq3A_52 : i32
        %convert_element_type3A_54 = arith.extui %eq3A_53 : i1 to i32
        %cond3A_55 = arith.constant 0 : i32
        %cond3A_56 = arith.cmpi ne, %convert_element_type3A_54, %cond3A_55 : i32
        scf.if %cond3A_56 {
          %mul3A_57 = arith.constant 240 : i32
          %mul3A_58 = arith.muli %add3A, %mul3A_57 : i32
          %add3A_59 = arith.constant 128 : i32
          %add3A_60 = arith.addi %mul3A_58, %add3A_59 : i32
          %sub3A = arith.constant 16 : i32
          %sub3A_61 = arith.subi %add3A_60, %sub3A : i32
          %dma_start3A_62 = tpu.memref_slice %arg3[%sub3A_61] : memref<7680xi32, #tpu.memory_space<hbm>> -> memref<128xi32, #tpu.memory_space<hbm>>
          %dma_start3A_63 = tpu.memref_slice %arg3[%sub3A_61] : memref<7680xi32, #tpu.memory_space<hbm>> -> memref<128xi32, #tpu.memory_space<hbm>>
          tpu.enqueue_dma source(%dma_start3A_63 : memref<128xi32, #tpu.memory_space<hbm>>) target(%arg9 : memref<128xi32, #tpu.memory_space<vmem>>) target_semaphore(%arg12 : memref<!tpu.dma_semaphore, #tpu.memory_space<semaphore_mem>>)
        } else {
        }
      } else {
      }
      %dma_wait3A = arith.constant 0 : i32
      %dma_wait3A_23 = tpu.memref_slice %arg2[%dma_wait3A] : memref<640000xi32, #tpu.memory_space<hbm>> -> memref<128xi32, #tpu.memory_space<hbm>>
      %dma_wait3A_24 = arith.constant 0 : i32
      %dma_wait3A_25 = tpu.memref_slice %arg2[%dma_wait3A_24] : memref<640000xi32, #tpu.memory_space<hbm>> -> memref<128xi32, #tpu.memory_space<hbm>>
      tpu.wait_dma2 semaphore(%arg11 : memref<!tpu.dma_semaphore, #tpu.memory_space<semaphore_mem>>) src(%dma_wait3A_25 : memref<128xi32, #tpu.memory_space<hbm>>) dst(%arg8 : memref<128xi32, #tpu.memory_space<vmem>>)
      "tpu.region"() ({
        %run_scoped3A = tpu.sem_alloc : memref<!tpu.dma_semaphore, #tpu.memory_space<semaphore_mem>>
        %dma_start3A_41 = arith.constant 0 : i32
        %dma_start3A_42 = arith.constant 0 : i32
        %dma_start3A_43 = tpu.memref_slice %arg7[%dma_start3A_41, %dma_start3A_42] : memref<10240x128xf32, #tpu.memory_space<vmem_shared>> -> memref<10240x128xf32, #tpu.memory_space<vmem_shared>>
        tpu.enqueue_indirect_dma source(%arg10 : memref<128x128xf32, #tpu.memory_space<vmem>>) target(%dma_start3A_43 : memref<10240x128xf32, #tpu.memory_space<vmem_shared>>) offsets(%arg8 : memref<128xi32, #tpu.memory_space<vmem>>) semaphore(%run_scoped3A : memref<!tpu.dma_semaphore, #tpu.memory_space<semaphore_mem>>) {add = true}
        %dma_wait3A_44 = arith.constant 0 : i32
        %dma_wait3A_45 = arith.constant 0 : i32
        %dma_wait3A_46 = tpu.memref_slice %arg7[%dma_wait3A_44, %dma_wait3A_45] : memref<10240x128xf32, #tpu.memory_space<vmem_shared>> -> memref<10240x128xf32, #tpu.memory_space<vmem_shared>>
        tpu.wait_indirect_dma semaphore(%run_scoped3A : memref<!tpu.dma_semaphore, #tpu.memory_space<semaphore_mem>>) src(%arg10 : memref<128x128xf32, #tpu.memory_space<vmem>>) dst(%dma_wait3A_46 : memref<10240x128xf32, #tpu.memory_space<vmem_shared>>)
        tpu.yield
      }) : () -> ()
      %mul3A_26 = arith.constant 2 : i32
      %mul3A_27 = arith.muli %mul3A_26, %scan3A_16 : i32
      %add3A_28 = arith.constant 1 : i32
      %add3A_29 = arith.addi %mul3A_27, %add3A_28 : i32
      %add3A_30 = arith.constant 1 : i32
      %add3A_31 = arith.addi %add3A_29, %add3A_30 : i32
      %lt3A_32 = arith.constant 80 : i32
      %lt3A_33 = arith.cmpi slt, %add3A_31, %lt3A_32 : i32
      %convert_element_type3A_34 = arith.extui %lt3A_33 : i1 to i32
      %cond3A_35 = arith.constant 0 : i32
      %cond3A_36 = arith.cmpi ne, %convert_element_type3A_34, %cond3A_35 : i32
      scf.if %cond3A_36 {
        %add3A_41 = arith.constant 1 : i32
        %add3A_42 = arith.addi %add3A_29, %add3A_41 : i32
        %lt3A_43 = arith.constant 78 : i32
        %lt3A_44 = arith.cmpi slt, %add3A_42, %lt3A_43 : i32
        %convert_element_type3A_45 = arith.extui %lt3A_44 : i1 to i32
        %cond3A_46 = arith.constant 0 : i32
        %cond3A_47 = arith.cmpi ne, %convert_element_type3A_45, %cond3A_46 : i32
        scf.if %cond3A_47 {
          %mul3A_57 = arith.constant 10000 : i32
          %mul3A_58 = arith.muli %add3A, %mul3A_57 : i32
          %add3A_59 = arith.constant 320000 : i32
          %add3A_60 = arith.addi %add3A_59, %mul3A_58 : i32
          %mul3A_61 = arith.constant 128 : i32
          %mul3A_62 = arith.muli %add3A_42, %mul3A_61 : i32
          %add3A_63 = arith.addi %add3A_60, %mul3A_62 : i32
          %dma_start3A_64 = tpu.memref_slice %arg2[%add3A_63] : memref<640000xi32, #tpu.memory_space<hbm>> -> memref<128xi32, #tpu.memory_space<hbm>>
          %dma_start3A_65 = tpu.memref_slice %arg2[%add3A_63] : memref<640000xi32, #tpu.memory_space<hbm>> -> memref<128xi32, #tpu.memory_space<hbm>>
          tpu.enqueue_dma source(%dma_start3A_65 : memref<128xi32, #tpu.memory_space<hbm>>) target(%arg8 : memref<128xi32, #tpu.memory_space<vmem>>) target_semaphore(%arg11 : memref<!tpu.dma_semaphore, #tpu.memory_space<semaphore_mem>>)
        } else {
        }
        %eq3A = arith.constant 78 : i32
        %eq3A_48 = arith.cmpi eq, %add3A_42, %eq3A : i32
        %convert_element_type3A_49 = arith.extui %eq3A_48 : i1 to i32
        %cond3A_50 = arith.constant 0 : i32
        %cond3A_51 = arith.cmpi ne, %convert_element_type3A_49, %cond3A_50 : i32
        scf.if %cond3A_51 {
          %mul3A_57 = arith.constant 10000 : i32
          %mul3A_58 = arith.muli %add3A, %mul3A_57 : i32
          %add3A_59 = arith.constant 320000 : i32
          %add3A_60 = arith.addi %add3A_59, %mul3A_58 : i32
          %add3A_61 = arith.constant 9984 : i32
          %add3A_62 = arith.addi %add3A_60, %add3A_61 : i32
          %dma_start3A_63 = arith.constant 0 : i32
          %dma_start3A_64 = tpu.memref_slice %arg8[%dma_start3A_63] : memref<128xi32, #tpu.memory_space<vmem>> -> memref<16xi32, #tpu.memory_space<vmem>>
          %dma_start3A_65 = tpu.memref_slice %arg2[%add3A_62] : memref<640000xi32, #tpu.memory_space<hbm>> -> memref<16xi32, #tpu.memory_space<hbm>>
          %dma_start3A_66 = arith.constant 0 : i32
          %dma_start3A_67 = tpu.memref_slice %arg8[%dma_start3A_66] : memref<128xi32, #tpu.memory_space<vmem>> -> memref<16xi32, #tpu.memory_space<vmem>>
          %dma_start3A_68 = tpu.memref_slice %arg2[%add3A_62] : memref<640000xi32, #tpu.memory_space<hbm>> -> memref<16xi32, #tpu.memory_space<hbm>>
          tpu.enqueue_dma source(%dma_start3A_68 : memref<16xi32, #tpu.memory_space<hbm>>) target(%dma_start3A_67 : memref<16xi32, #tpu.memory_space<vmem>>) target_semaphore(%arg11 : memref<!tpu.dma_semaphore, #tpu.memory_space<semaphore_mem>>)
          %mul3A_69 = arith.constant 240 : i32
          %mul3A_70 = arith.muli %add3A, %mul3A_69 : i32
          %dma_start3A_71 = arith.constant 16 : i32
          %dma_start3A_72 = tpu.memref_slice %arg8[%dma_start3A_71] : memref<128xi32, #tpu.memory_space<vmem>> -> memref<112xi32, #tpu.memory_space<vmem>>
          %dma_start3A_73 = tpu.memref_slice %arg3[%mul3A_70] : memref<7680xi32, #tpu.memory_space<hbm>> -> memref<112xi32, #tpu.memory_space<hbm>>
          %dma_start3A_74 = arith.constant 16 : i32
          %dma_start3A_75 = tpu.memref_slice %arg8[%dma_start3A_74] : memref<128xi32, #tpu.memory_space<vmem>> -> memref<112xi32, #tpu.memory_space<vmem>>
          %dma_start3A_76 = tpu.memref_slice %arg3[%mul3A_70] : memref<7680xi32, #tpu.memory_space<hbm>> -> memref<112xi32, #tpu.memory_space<hbm>>
          tpu.enqueue_dma source(%dma_start3A_76 : memref<112xi32, #tpu.memory_space<hbm>>) target(%dma_start3A_75 : memref<112xi32, #tpu.memory_space<vmem>>) target_semaphore(%arg11 : memref<!tpu.dma_semaphore, #tpu.memory_space<semaphore_mem>>)
        } else {
        }
        %eq3A_52 = arith.constant 79 : i32
        %eq3A_53 = arith.cmpi eq, %add3A_42, %eq3A_52 : i32
        %convert_element_type3A_54 = arith.extui %eq3A_53 : i1 to i32
        %cond3A_55 = arith.constant 0 : i32
        %cond3A_56 = arith.cmpi ne, %convert_element_type3A_54, %cond3A_55 : i32
        scf.if %cond3A_56 {
          %mul3A_57 = arith.constant 240 : i32
          %mul3A_58 = arith.muli %add3A, %mul3A_57 : i32
          %add3A_59 = arith.constant 128 : i32
          %add3A_60 = arith.addi %mul3A_58, %add3A_59 : i32
          %sub3A = arith.constant 16 : i32
          %sub3A_61 = arith.subi %add3A_60, %sub3A : i32
          %dma_start3A_62 = tpu.memref_slice %arg3[%sub3A_61] : memref<7680xi32, #tpu.memory_space<hbm>> -> memref<128xi32, #tpu.memory_space<hbm>>
          %dma_start3A_63 = tpu.memref_slice %arg3[%sub3A_61] : memref<7680xi32, #tpu.memory_space<hbm>> -> memref<128xi32, #tpu.memory_space<hbm>>
          tpu.enqueue_dma source(%dma_start3A_63 : memref<128xi32, #tpu.memory_space<hbm>>) target(%arg8 : memref<128xi32, #tpu.memory_space<vmem>>) target_semaphore(%arg11 : memref<!tpu.dma_semaphore, #tpu.memory_space<semaphore_mem>>)
        } else {
        }
      } else {
      }
      %dma_wait3A_37 = arith.constant 0 : i32
      %dma_wait3A_38 = tpu.memref_slice %arg2[%dma_wait3A_37] : memref<640000xi32, #tpu.memory_space<hbm>> -> memref<128xi32, #tpu.memory_space<hbm>>
      %dma_wait3A_39 = arith.constant 0 : i32
      %dma_wait3A_40 = tpu.memref_slice %arg2[%dma_wait3A_39] : memref<640000xi32, #tpu.memory_space<hbm>> -> memref<128xi32, #tpu.memory_space<hbm>>
      tpu.wait_dma2 semaphore(%arg12 : memref<!tpu.dma_semaphore, #tpu.memory_space<semaphore_mem>>) src(%dma_wait3A_40 : memref<128xi32, #tpu.memory_space<hbm>>) dst(%arg9 : memref<128xi32, #tpu.memory_space<vmem>>)
      "tpu.region"() ({
        %run_scoped3A = tpu.sem_alloc : memref<!tpu.dma_semaphore, #tpu.memory_space<semaphore_mem>>
        %dma_start3A_41 = arith.constant 0 : i32
        %dma_start3A_42 = arith.constant 0 : i32
        %dma_start3A_43 = tpu.memref_slice %arg7[%dma_start3A_41, %dma_start3A_42] : memref<10240x128xf32, #tpu.memory_space<vmem_shared>> -> memref<10240x128xf32, #tpu.memory_space<vmem_shared>>
        tpu.enqueue_indirect_dma source(%arg10 : memref<128x128xf32, #tpu.memory_space<vmem>>) target(%dma_start3A_43 : memref<10240x128xf32, #tpu.memory_space<vmem_shared>>) offsets(%arg9 : memref<128xi32, #tpu.memory_space<vmem>>) semaphore(%run_scoped3A : memref<!tpu.dma_semaphore, #tpu.memory_space<semaphore_mem>>) {add = true}
        %dma_wait3A_44 = arith.constant 0 : i32
        %dma_wait3A_45 = arith.constant 0 : i32
        %dma_wait3A_46 = tpu.memref_slice %arg7[%dma_wait3A_44, %dma_wait3A_45] : memref<10240x128xf32, #tpu.memory_space<vmem_shared>> -> memref<10240x128xf32, #tpu.memory_space<vmem_shared>>
        tpu.wait_indirect_dma semaphore(%run_scoped3A : memref<!tpu.dma_semaphore, #tpu.memory_space<semaphore_mem>>) src(%arg10 : memref<128x128xf32, #tpu.memory_space<vmem>>) dst(%dma_wait3A_46 : memref<10240x128xf32, #tpu.memory_space<vmem_shared>>)
        tpu.yield
      }) : () -> ()
    }
    %scan3A_14 = arith.constant 40 : i32
    "tpu.trace_stop"() : () -> ()
    %barrier3A_15 = arith.constant 0 : index
    tpu.barrier barrier_id(%barrier3A_15)
    "tpu.region"() ({
      %run_scoped3A = tpu.sem_alloc : memref<!tpu.dma_semaphore, #tpu.memory_space<semaphore_mem>>
      %dma_start3A_16 = arith.constant 0 : i32
      %dma_start3A_17 = tpu.memref_slice %arg6[%arg0, %mul3A_2, %dma_start3A_16] : memref<2x10240x128xf32, #tpu.memory_space<hbm>> -> memref<1x640x128xf32, #tpu.memory_space<hbm>>
      %dma_start3A_18 = tpu.memref_squeeze %dma_start3A_17 : memref<1x640x128xf32, #tpu.memory_space<hbm>> -> memref<640x128xf32, #tpu.memory_space<hbm>>
      %dma_start3A_19 = arith.constant 0 : i32
      %dma_start3A_20 = tpu.memref_slice %arg7[%mul3A_2, %dma_start3A_19] : memref<10240x128xf32, #tpu.memory_space<vmem_shared>> -> memref<640x128xf32, #tpu.memory_space<vmem_shared>>
      tpu.enqueue_dma source(%dma_start3A_20 : memref<640x128xf32, #tpu.memory_space<vmem_shared>>) target(%dma_start3A_18 : memref<640x128xf32, #tpu.memory_space<hbm>>) target_semaphore(%run_scoped3A : memref<!tpu.dma_semaphore, #tpu.memory_space<semaphore_mem>>)
      %dma_wait3A = arith.constant 0 : i32
      %dma_wait3A_21 = tpu.memref_slice %arg6[%arg0, %mul3A_2, %dma_wait3A] : memref<2x10240x128xf32, #tpu.memory_space<hbm>> -> memref<1x640x128xf32, #tpu.memory_space<hbm>>
      %dma_wait3A_22 = tpu.memref_squeeze %dma_wait3A_21 : memref<1x640x128xf32, #tpu.memory_space<hbm>> -> memref<640x128xf32, #tpu.memory_space<hbm>>
      %dma_wait3A_23 = arith.constant 0 : i32
      %dma_wait3A_24 = tpu.memref_slice %arg7[%mul3A_2, %dma_wait3A_23] : memref<10240x128xf32, #tpu.memory_space<vmem_shared>> -> memref<640x128xf32, #tpu.memory_space<vmem_shared>>
      tpu.wait_dma2 semaphore(%run_scoped3A : memref<!tpu.dma_semaphore, #tpu.memory_space<semaphore_mem>>) src(%dma_wait3A_24 : memref<640x128xf32, #tpu.memory_space<vmem_shared>>) dst(%dma_wait3A_22 : memref<640x128xf32, #tpu.memory_space<hbm>>)
      tpu.yield
    }) : () -> ()
    return
  }
}

#map = affine_map<(d0, d1) -> (0, 0)>
#map1 = affine_map<(d0, d1) -> (0)>
#map2 = affine_map<(d0, d1) -> (0, 0, 0)>
module attributes {stable_mosaic.version = 14 : i64} {
  func.func @_sc_p1_body(%arg0: i32, %arg1: i32, %arg2: memref<10000x128xf32, #tpu.memory_space<hbm>>, %arg3: memref<640000xi32, #tpu.memory_space<hbm>>, %arg4: memref<7680xi32, #tpu.memory_space<hbm>>, %arg5: memref<7680xi32, #tpu.memory_space<hbm>>, %arg6: memref<10240x128xf32, #tpu.memory_space<hbm>>, %arg7: memref<2x10240x128xf32, #tpu.memory_space<hbm>>, %arg8: memref<10240x128xf32, #tpu.memory_space<vmem_shared>>, %arg9: memref<128xi32, #tpu.memory_space<vmem>>, %arg10: memref<128xi32, #tpu.memory_space<vmem>>, %arg11: memref<128xi32, #tpu.memory_space<vmem>>, %arg12: memref<128xi32, #tpu.memory_space<vmem>>, %arg13: memref<128x128xf32, #tpu.memory_space<vmem>>, %arg14: memref<128x128xf32, #tpu.memory_space<vmem>>, %arg15: memref<!tpu.dma_semaphore, #tpu.memory_space<semaphore_mem>>, %arg16: memref<!tpu.dma_semaphore, #tpu.memory_space<semaphore_mem>>, %arg17: memref<!tpu.dma_semaphore, #tpu.memory_space<semaphore_mem>>, %arg18: memref<!tpu.dma_semaphore, #tpu.memory_space<semaphore_mem>>) attributes {dimension_semantics = [#tpu.dimension_semantics<core_parallel>, #tpu.dimension_semantics<subcore_parallel>], iteration_bounds = array<i64: 2, 16>, scalar_prefetch = 0 : i64, scratch_operands = 11 : i64, tpu.core_type = #tpu.core_type<sc_vector_subcore>, window_params = [{transform_indices = #map}, {transform_indices = #map1}, {transform_indices = #map1}, {transform_indices = #map1}, {transform_indices = #map}, {transform_indices = #map2}]} {
    %mul3A = arith.constant 16 : i32
    %mul3A_0 = arith.muli %arg0, %mul3A : i32
    %add3A = arith.addi %mul3A_0, %arg1 : i32
    %mul3A_1 = arith.constant 640 : i32
    %mul3A_2 = arith.muli %arg1, %mul3A_1 : i32
    "tpu.region"() ({
      %run_scoped3A = tpu.sem_alloc : memref<!tpu.dma_semaphore, #tpu.memory_space<semaphore_mem>>
      %dma_start3A_50 = arith.constant 0 : i32
      %dma_start3A_51 = tpu.memref_slice %arg8[%mul3A_2, %dma_start3A_50] : memref<10240x128xf32, #tpu.memory_space<vmem_shared>> -> memref<640x128xf32, #tpu.memory_space<vmem_shared>>
      %dma_start3A_52 = arith.constant 0 : i32
      %dma_start3A_53 = tpu.memref_slice %arg6[%mul3A_2, %dma_start3A_52] : memref<10240x128xf32, #tpu.memory_space<hbm>> -> memref<640x128xf32, #tpu.memory_space<hbm>>
      tpu.enqueue_dma source(%dma_start3A_53 : memref<640x128xf32, #tpu.memory_space<hbm>>) target(%dma_start3A_51 : memref<640x128xf32, #tpu.memory_space<vmem_shared>>) target_semaphore(%run_scoped3A : memref<!tpu.dma_semaphore, #tpu.memory_space<semaphore_mem>>)
      %dma_wait3A_54 = arith.constant 0 : i32
      %dma_wait3A_55 = tpu.memref_slice %arg8[%mul3A_2, %dma_wait3A_54] : memref<10240x128xf32, #tpu.memory_space<vmem_shared>> -> memref<640x128xf32, #tpu.memory_space<vmem_shared>>
      %dma_wait3A_56 = arith.constant 0 : i32
      %dma_wait3A_57 = tpu.memref_slice %arg6[%mul3A_2, %dma_wait3A_56] : memref<10240x128xf32, #tpu.memory_space<hbm>> -> memref<640x128xf32, #tpu.memory_space<hbm>>
      tpu.wait_dma2 semaphore(%run_scoped3A : memref<!tpu.dma_semaphore, #tpu.memory_space<semaphore_mem>>) src(%dma_wait3A_57 : memref<640x128xf32, #tpu.memory_space<hbm>>) dst(%dma_wait3A_55 : memref<640x128xf32, #tpu.memory_space<vmem_shared>>)
      tpu.yield
    }) : () -> ()
    %barrier3A = arith.constant 0 : index
    tpu.barrier barrier_id(%barrier3A)
    %mul3A_3 = arith.constant 10000 : i32
    %mul3A_4 = arith.muli %add3A, %mul3A_3 : i32
    %add3A_5 = arith.constant 0 : i32
    %add3A_6 = arith.addi %add3A_5, %mul3A_4 : i32
    %add3A_7 = arith.constant 0 : i32
    %add3A_8 = arith.addi %add3A_6, %add3A_7 : i32
    %dma_start3A = tpu.memref_slice %arg3[%add3A_8] : memref<640000xi32, #tpu.memory_space<hbm>> -> memref<128xi32, #tpu.memory_space<hbm>>
    %dma_start3A_9 = tpu.memref_slice %arg3[%add3A_8] : memref<640000xi32, #tpu.memory_space<hbm>> -> memref<128xi32, #tpu.memory_space<hbm>>
    tpu.enqueue_dma source(%dma_start3A_9 : memref<128xi32, #tpu.memory_space<hbm>>) target(%arg9 : memref<128xi32, #tpu.memory_space<vmem>>) target_semaphore(%arg15 : memref<!tpu.dma_semaphore, #tpu.memory_space<semaphore_mem>>)
    %mul3A_10 = arith.constant 10000 : i32
    %mul3A_11 = arith.muli %add3A, %mul3A_10 : i32
    %add3A_12 = arith.constant 320000 : i32
    %add3A_13 = arith.addi %add3A_12, %mul3A_11 : i32
    %add3A_14 = arith.constant 0 : i32
    %add3A_15 = arith.addi %add3A_13, %add3A_14 : i32
    %dma_start3A_16 = tpu.memref_slice %arg3[%add3A_15] : memref<640000xi32, #tpu.memory_space<hbm>> -> memref<128xi32, #tpu.memory_space<hbm>>
    %dma_start3A_17 = tpu.memref_slice %arg3[%add3A_15] : memref<640000xi32, #tpu.memory_space<hbm>> -> memref<128xi32, #tpu.memory_space<hbm>>
    tpu.enqueue_dma source(%dma_start3A_17 : memref<128xi32, #tpu.memory_space<hbm>>) target(%arg11 : memref<128xi32, #tpu.memory_space<vmem>>) target_semaphore(%arg15 : memref<!tpu.dma_semaphore, #tpu.memory_space<semaphore_mem>>)
    %dma_wait3A = arith.constant 0 : i32
    %dma_wait3A_18 = tpu.memref_slice %arg3[%dma_wait3A] : memref<640000xi32, #tpu.memory_space<hbm>> -> memref<128xi32, #tpu.memory_space<hbm>>
    %dma_wait3A_19 = arith.constant 0 : i32
    %dma_wait3A_20 = tpu.memref_slice %arg3[%dma_wait3A_19] : memref<640000xi32, #tpu.memory_space<hbm>> -> memref<128xi32, #tpu.memory_space<hbm>>
    tpu.wait_dma2 semaphore(%arg15 : memref<!tpu.dma_semaphore, #tpu.memory_space<semaphore_mem>>) src(%dma_wait3A_20 : memref<128xi32, #tpu.memory_space<hbm>>) dst(%arg9 : memref<128xi32, #tpu.memory_space<vmem>>)
    %dma_wait3A_21 = arith.constant 0 : i32
    %dma_wait3A_22 = tpu.memref_slice %arg3[%dma_wait3A_21] : memref<640000xi32, #tpu.memory_space<hbm>> -> memref<128xi32, #tpu.memory_space<hbm>>
    %dma_wait3A_23 = arith.constant 0 : i32
    %dma_wait3A_24 = tpu.memref_slice %arg3[%dma_wait3A_23] : memref<640000xi32, #tpu.memory_space<hbm>> -> memref<128xi32, #tpu.memory_space<hbm>>
    tpu.wait_dma2 semaphore(%arg15 : memref<!tpu.dma_semaphore, #tpu.memory_space<semaphore_mem>>) src(%dma_wait3A_24 : memref<128xi32, #tpu.memory_space<hbm>>) dst(%arg11 : memref<128xi32, #tpu.memory_space<vmem>>)
    %dma_start3A_25 = arith.constant 0 : i32
    %dma_start3A_26 = arith.constant 0 : i32
    %dma_start3A_27 = tpu.memref_slice %arg2[%dma_start3A_25, %dma_start3A_26] : memref<10000x128xf32, #tpu.memory_space<hbm>> -> memref<10000x128xf32, #tpu.memory_space<hbm>>
    tpu.enqueue_indirect_dma source(%dma_start3A_27 : memref<10000x128xf32, #tpu.memory_space<hbm>>) target(%arg13 : memref<128x128xf32, #tpu.memory_space<vmem>>) offsets(%arg9 : memref<128xi32, #tpu.memory_space<vmem>>) semaphore(%arg17 : memref<!tpu.dma_semaphore, #tpu.memory_space<semaphore_mem>>)
    %mul3A_28 = arith.constant 10000 : i32
    %mul3A_29 = arith.muli %add3A, %mul3A_28 : i32
    %add3A_30 = arith.constant 0 : i32
    %add3A_31 = arith.addi %add3A_30, %mul3A_29 : i32
    %add3A_32 = arith.constant 128 : i32
    %add3A_33 = arith.addi %add3A_31, %add3A_32 : i32
    %dma_start3A_34 = tpu.memref_slice %arg3[%add3A_33] : memref<640000xi32, #tpu.memory_space<hbm>> -> memref<128xi32, #tpu.memory_space<hbm>>
    %dma_start3A_35 = tpu.memref_slice %arg3[%add3A_33] : memref<640000xi32, #tpu.memory_space<hbm>> -> memref<128xi32, #tpu.memory_space<hbm>>
    tpu.enqueue_dma source(%dma_start3A_35 : memref<128xi32, #tpu.memory_space<hbm>>) target(%arg10 : memref<128xi32, #tpu.memory_space<vmem>>) target_semaphore(%arg16 : memref<!tpu.dma_semaphore, #tpu.memory_space<semaphore_mem>>)
    %mul3A_36 = arith.constant 10000 : i32
    %mul3A_37 = arith.muli %add3A, %mul3A_36 : i32
    %add3A_38 = arith.constant 320000 : i32
    %add3A_39 = arith.addi %add3A_38, %mul3A_37 : i32
    %add3A_40 = arith.constant 128 : i32
    %add3A_41 = arith.addi %add3A_39, %add3A_40 : i32
    %dma_start3A_42 = tpu.memref_slice %arg3[%add3A_41] : memref<640000xi32, #tpu.memory_space<hbm>> -> memref<128xi32, #tpu.memory_space<hbm>>
    %dma_start3A_43 = tpu.memref_slice %arg3[%add3A_41] : memref<640000xi32, #tpu.memory_space<hbm>> -> memref<128xi32, #tpu.memory_space<hbm>>
    tpu.enqueue_dma source(%dma_start3A_43 : memref<128xi32, #tpu.memory_space<hbm>>) target(%arg12 : memref<128xi32, #tpu.memory_space<vmem>>) target_semaphore(%arg16 : memref<!tpu.dma_semaphore, #tpu.memory_space<semaphore_mem>>)
    "tpu.trace_start"() <{level = 10 : i32, message = "sc_phase1_features"}> : () -> ()
    %scan3A = arith.constant 0 : i32
    %scan3A_44 = arith.constant 0 : i32
    %scan3A_45 = arith.constant 40 : i32
    %scan3A_46 = arith.addi %scan3A_44, %scan3A_45 : i32
    %scan3A_47 = arith.constant 1 : i32
    scf.for %scan3A_50 = %scan3A_44 to %scan3A_46 step %scan3A_47  : i32 {
      %mul3A_51 = arith.constant 2 : i32
      %mul3A_52 = arith.muli %mul3A_51, %scan3A_50 : i32
      %add3A_53 = arith.constant 1 : i32
      %add3A_54 = arith.addi %mul3A_52, %add3A_53 : i32
      %lt3A = arith.constant 80 : i32
      %lt3A_55 = arith.cmpi slt, %add3A_54, %lt3A : i32
      %convert_element_type3A = arith.extui %lt3A_55 : i1 to i32
      %cond3A = arith.constant 0 : i32
      %cond3A_56 = arith.cmpi ne, %convert_element_type3A, %cond3A : i32
      scf.if %cond3A_56 {
        %dma_wait3A_88 = arith.constant 0 : i32
        %dma_wait3A_89 = tpu.memref_slice %arg3[%dma_wait3A_88] : memref<640000xi32, #tpu.memory_space<hbm>> -> memref<128xi32, #tpu.memory_space<hbm>>
        %dma_wait3A_90 = arith.constant 0 : i32
        %dma_wait3A_91 = tpu.memref_slice %arg3[%dma_wait3A_90] : memref<640000xi32, #tpu.memory_space<hbm>> -> memref<128xi32, #tpu.memory_space<hbm>>
        tpu.wait_dma2 semaphore(%arg16 : memref<!tpu.dma_semaphore, #tpu.memory_space<semaphore_mem>>) src(%dma_wait3A_91 : memref<128xi32, #tpu.memory_space<hbm>>) dst(%arg10 : memref<128xi32, #tpu.memory_space<vmem>>)
        %dma_wait3A_92 = arith.constant 0 : i32
        %dma_wait3A_93 = tpu.memref_slice %arg3[%dma_wait3A_92] : memref<640000xi32, #tpu.memory_space<hbm>> -> memref<128xi32, #tpu.memory_space<hbm>>
        %dma_wait3A_94 = arith.constant 0 : i32
        %dma_wait3A_95 = tpu.memref_slice %arg3[%dma_wait3A_94] : memref<640000xi32, #tpu.memory_space<hbm>> -> memref<128xi32, #tpu.memory_space<hbm>>
        tpu.wait_dma2 semaphore(%arg16 : memref<!tpu.dma_semaphore, #tpu.memory_space<semaphore_mem>>) src(%dma_wait3A_95 : memref<128xi32, #tpu.memory_space<hbm>>) dst(%arg12 : memref<128xi32, #tpu.memory_space<vmem>>)
        %dma_start3A_96 = arith.constant 0 : i32
        %dma_start3A_97 = arith.constant 0 : i32
        %dma_start3A_98 = tpu.memref_slice %arg2[%dma_start3A_96, %dma_start3A_97] : memref<10000x128xf32, #tpu.memory_space<hbm>> -> memref<10000x128xf32, #tpu.memory_space<hbm>>
        tpu.enqueue_indirect_dma source(%dma_start3A_98 : memref<10000x128xf32, #tpu.memory_space<hbm>>) target(%arg14 : memref<128x128xf32, #tpu.memory_space<vmem>>) offsets(%arg10 : memref<128xi32, #tpu.memory_space<vmem>>) semaphore(%arg18 : memref<!tpu.dma_semaphore, #tpu.memory_space<semaphore_mem>>)
      } else {
      }
      %dma_wait3A_57 = arith.constant 0 : i32
      %dma_wait3A_58 = arith.constant 0 : i32
      %dma_wait3A_59 = tpu.memref_slice %arg2[%dma_wait3A_57, %dma_wait3A_58] : memref<10000x128xf32, #tpu.memory_space<hbm>> -> memref<10000x128xf32, #tpu.memory_space<hbm>>
      tpu.wait_indirect_dma semaphore(%arg17 : memref<!tpu.dma_semaphore, #tpu.memory_space<semaphore_mem>>) src(%dma_wait3A_59 : memref<10000x128xf32, #tpu.memory_space<hbm>>) dst(%arg13 : memref<128x128xf32, #tpu.memory_space<vmem>>)
      "tpu.region"() ({
        %run_scoped3A = tpu.sem_alloc : memref<!tpu.dma_semaphore, #tpu.memory_space<semaphore_mem>>
        %dma_start3A_88 = arith.constant 0 : i32
        %dma_start3A_89 = arith.constant 0 : i32
        %dma_start3A_90 = tpu.memref_slice %arg8[%dma_start3A_88, %dma_start3A_89] : memref<10240x128xf32, #tpu.memory_space<vmem_shared>> -> memref<10240x128xf32, #tpu.memory_space<vmem_shared>>
        tpu.enqueue_indirect_dma source(%arg13 : memref<128x128xf32, #tpu.memory_space<vmem>>) target(%dma_start3A_90 : memref<10240x128xf32, #tpu.memory_space<vmem_shared>>) offsets(%arg11 : memref<128xi32, #tpu.memory_space<vmem>>) semaphore(%run_scoped3A : memref<!tpu.dma_semaphore, #tpu.memory_space<semaphore_mem>>) {add = true}
        %dma_wait3A_91 = arith.constant 0 : i32
        %dma_wait3A_92 = arith.constant 0 : i32
        %dma_wait3A_93 = tpu.memref_slice %arg8[%dma_wait3A_91, %dma_wait3A_92] : memref<10240x128xf32, #tpu.memory_space<vmem_shared>> -> memref<10240x128xf32, #tpu.memory_space<vmem_shared>>
        tpu.wait_indirect_dma semaphore(%run_scoped3A : memref<!tpu.dma_semaphore, #tpu.memory_space<semaphore_mem>>) src(%arg13 : memref<128x128xf32, #tpu.memory_space<vmem>>) dst(%dma_wait3A_93 : memref<10240x128xf32, #tpu.memory_space<vmem_shared>>)
        tpu.yield
      }) : () -> ()
      %add3A_60 = arith.constant 2 : i32
      %add3A_61 = arith.addi %mul3A_52, %add3A_60 : i32
      %lt3A_62 = arith.constant 80 : i32
      %lt3A_63 = arith.cmpi slt, %add3A_61, %lt3A_62 : i32
      %convert_element_type3A_64 = arith.extui %lt3A_63 : i1 to i32
      %cond3A_65 = arith.constant 0 : i32
      %cond3A_66 = arith.cmpi ne, %convert_element_type3A_64, %cond3A_65 : i32
      scf.if %cond3A_66 {
        %add3A_88 = arith.constant 2 : i32
        %add3A_89 = arith.addi %mul3A_52, %add3A_88 : i32
        %lt3A_90 = arith.constant 78 : i32
        %lt3A_91 = arith.cmpi slt, %add3A_89, %lt3A_90 : i32
        %convert_element_type3A_92 = arith.extui %lt3A_91 : i1 to i32
        %cond3A_93 = arith.constant 0 : i32
        %cond3A_94 = arith.cmpi ne, %convert_element_type3A_92, %cond3A_93 : i32
        scf.if %cond3A_94 {
          %mul3A_119 = arith.constant 10000 : i32
          %mul3A_120 = arith.muli %add3A, %mul3A_119 : i32
          %add3A_121 = arith.constant 0 : i32
          %add3A_122 = arith.addi %add3A_121, %mul3A_120 : i32
          %mul3A_123 = arith.constant 128 : i32
          %mul3A_124 = arith.muli %add3A_89, %mul3A_123 : i32
          %add3A_125 = arith.addi %add3A_122, %mul3A_124 : i32
          %dma_start3A_126 = tpu.memref_slice %arg3[%add3A_125] : memref<640000xi32, #tpu.memory_space<hbm>> -> memref<128xi32, #tpu.memory_space<hbm>>
          %dma_start3A_127 = tpu.memref_slice %arg3[%add3A_125] : memref<640000xi32, #tpu.memory_space<hbm>> -> memref<128xi32, #tpu.memory_space<hbm>>
          tpu.enqueue_dma source(%dma_start3A_127 : memref<128xi32, #tpu.memory_space<hbm>>) target(%arg9 : memref<128xi32, #tpu.memory_space<vmem>>) target_semaphore(%arg15 : memref<!tpu.dma_semaphore, #tpu.memory_space<semaphore_mem>>)
        } else {
        }
        %eq3A = arith.constant 78 : i32
        %eq3A_95 = arith.cmpi eq, %add3A_89, %eq3A : i32
        %convert_element_type3A_96 = arith.extui %eq3A_95 : i1 to i32
        %cond3A_97 = arith.constant 0 : i32
        %cond3A_98 = arith.cmpi ne, %convert_element_type3A_96, %cond3A_97 : i32
        scf.if %cond3A_98 {
          %mul3A_119 = arith.constant 10000 : i32
          %mul3A_120 = arith.muli %add3A, %mul3A_119 : i32
          %add3A_121 = arith.constant 0 : i32
          %add3A_122 = arith.addi %add3A_121, %mul3A_120 : i32
          %add3A_123 = arith.constant 9984 : i32
          %add3A_124 = arith.addi %add3A_122, %add3A_123 : i32
          %dma_start3A_125 = arith.constant 0 : i32
          %dma_start3A_126 = tpu.memref_slice %arg9[%dma_start3A_125] : memref<128xi32, #tpu.memory_space<vmem>> -> memref<16xi32, #tpu.memory_space<vmem>>
          %dma_start3A_127 = tpu.memref_slice %arg3[%add3A_124] : memref<640000xi32, #tpu.memory_space<hbm>> -> memref<16xi32, #tpu.memory_space<hbm>>
          %dma_start3A_128 = arith.constant 0 : i32
          %dma_start3A_129 = tpu.memref_slice %arg9[%dma_start3A_128] : memref<128xi32, #tpu.memory_space<vmem>> -> memref<16xi32, #tpu.memory_space<vmem>>
          %dma_start3A_130 = tpu.memref_slice %arg3[%add3A_124] : memref<640000xi32, #tpu.memory_space<hbm>> -> memref<16xi32, #tpu.memory_space<hbm>>
          tpu.enqueue_dma source(%dma_start3A_130 : memref<16xi32, #tpu.memory_space<hbm>>) target(%dma_start3A_129 : memref<16xi32, #tpu.memory_space<vmem>>) target_semaphore(%arg15 : memref<!tpu.dma_semaphore, #tpu.memory_space<semaphore_mem>>)
          %mul3A_131 = arith.constant 240 : i32
          %mul3A_132 = arith.muli %add3A, %mul3A_131 : i32
          %dma_start3A_133 = arith.constant 16 : i32
          %dma_start3A_134 = tpu.memref_slice %arg9[%dma_start3A_133] : memref<128xi32, #tpu.memory_space<vmem>> -> memref<112xi32, #tpu.memory_space<vmem>>
          %dma_start3A_135 = tpu.memref_slice %arg4[%mul3A_132] : memref<7680xi32, #tpu.memory_space<hbm>> -> memref<112xi32, #tpu.memory_space<hbm>>
          %dma_start3A_136 = arith.constant 16 : i32
          %dma_start3A_137 = tpu.memref_slice %arg9[%dma_start3A_136] : memref<128xi32, #tpu.memory_space<vmem>> -> memref<112xi32, #tpu.memory_space<vmem>>
          %dma_start3A_138 = tpu.memref_slice %arg4[%mul3A_132] : memref<7680xi32, #tpu.memory_space<hbm>> -> memref<112xi32, #tpu.memory_space<hbm>>
          tpu.enqueue_dma source(%dma_start3A_138 : memref<112xi32, #tpu.memory_space<hbm>>) target(%dma_start3A_137 : memref<112xi32, #tpu.memory_space<vmem>>) target_semaphore(%arg15 : memref<!tpu.dma_semaphore, #tpu.memory_space<semaphore_mem>>)
        } else {
        }
        %eq3A_99 = arith.constant 79 : i32
        %eq3A_100 = arith.cmpi eq, %add3A_89, %eq3A_99 : i32
        %convert_element_type3A_101 = arith.extui %eq3A_100 : i1 to i32
        %cond3A_102 = arith.constant 0 : i32
        %cond3A_103 = arith.cmpi ne, %convert_element_type3A_101, %cond3A_102 : i32
        scf.if %cond3A_103 {
          %mul3A_119 = arith.constant 240 : i32
          %mul3A_120 = arith.muli %add3A, %mul3A_119 : i32
          %add3A_121 = arith.constant 128 : i32
          %add3A_122 = arith.addi %mul3A_120, %add3A_121 : i32
          %sub3A = arith.constant 16 : i32
          %sub3A_123 = arith.subi %add3A_122, %sub3A : i32
          %dma_start3A_124 = tpu.memref_slice %arg4[%sub3A_123] : memref<7680xi32, #tpu.memory_space<hbm>> -> memref<128xi32, #tpu.memory_space<hbm>>
          %dma_start3A_125 = tpu.memref_slice %arg4[%sub3A_123] : memref<7680xi32, #tpu.memory_space<hbm>> -> memref<128xi32, #tpu.memory_space<hbm>>
          tpu.enqueue_dma source(%dma_start3A_125 : memref<128xi32, #tpu.memory_space<hbm>>) target(%arg9 : memref<128xi32, #tpu.memory_space<vmem>>) target_semaphore(%arg15 : memref<!tpu.dma_semaphore, #tpu.memory_space<semaphore_mem>>)
        } else {
        }
        %lt3A_104 = arith.constant 78 : i32
        %lt3A_105 = arith.cmpi slt, %add3A_89, %lt3A_104 : i32
        %convert_element_type3A_106 = arith.extui %lt3A_105 : i1 to i32
        %cond3A_107 = arith.constant 0 : i32
        %cond3A_108 = arith.cmpi ne, %convert_element_type3A_106, %cond3A_107 : i32
        scf.if %cond3A_108 {
          %mul3A_119 = arith.constant 10000 : i32
          %mul3A_120 = arith.muli %add3A, %mul3A_119 : i32
          %add3A_121 = arith.constant 320000 : i32
          %add3A_122 = arith.addi %add3A_121, %mul3A_120 : i32
          %mul3A_123 = arith.constant 128 : i32
          %mul3A_124 = arith.muli %add3A_89, %mul3A_123 : i32
          %add3A_125 = arith.addi %add3A_122, %mul3A_124 : i32
          %dma_start3A_126 = tpu.memref_slice %arg3[%add3A_125] : memref<640000xi32, #tpu.memory_space<hbm>> -> memref<128xi32, #tpu.memory_space<hbm>>
          %dma_start3A_127 = tpu.memref_slice %arg3[%add3A_125] : memref<640000xi32, #tpu.memory_space<hbm>> -> memref<128xi32, #tpu.memory_space<hbm>>
          tpu.enqueue_dma source(%dma_start3A_127 : memref<128xi32, #tpu.memory_space<hbm>>) target(%arg11 : memref<128xi32, #tpu.memory_space<vmem>>) target_semaphore(%arg15 : memref<!tpu.dma_semaphore, #tpu.memory_space<semaphore_mem>>)
        } else {
        }
        %eq3A_109 = arith.constant 78 : i32
        %eq3A_110 = arith.cmpi eq, %add3A_89, %eq3A_109 : i32
        %convert_element_type3A_111 = arith.extui %eq3A_110 : i1 to i32
        %cond3A_112 = arith.constant 0 : i32
        %cond3A_113 = arith.cmpi ne, %convert_element_type3A_111, %cond3A_112 : i32
        scf.if %cond3A_113 {
          %mul3A_119 = arith.constant 10000 : i32
          %mul3A_120 = arith.muli %add3A, %mul3A_119 : i32
          %add3A_121 = arith.constant 320000 : i32
          %add3A_122 = arith.addi %add3A_121, %mul3A_120 : i32
          %add3A_123 = arith.constant 9984 : i32
          %add3A_124 = arith.addi %add3A_122, %add3A_123 : i32
          %dma_start3A_125 = arith.constant 0 : i32
          %dma_start3A_126 = tpu.memref_slice %arg11[%dma_start3A_125] : memref<128xi32, #tpu.memory_space<vmem>> -> memref<16xi32, #tpu.memory_space<vmem>>
          %dma_start3A_127 = tpu.memref_slice %arg3[%add3A_124] : memref<640000xi32, #tpu.memory_space<hbm>> -> memref<16xi32, #tpu.memory_space<hbm>>
          %dma_start3A_128 = arith.constant 0 : i32
          %dma_start3A_129 = tpu.memref_slice %arg11[%dma_start3A_128] : memref<128xi32, #tpu.memory_space<vmem>> -> memref<16xi32, #tpu.memory_space<vmem>>
          %dma_start3A_130 = tpu.memref_slice %arg3[%add3A_124] : memref<640000xi32, #tpu.memory_space<hbm>> -> memref<16xi32, #tpu.memory_space<hbm>>
          tpu.enqueue_dma source(%dma_start3A_130 : memref<16xi32, #tpu.memory_space<hbm>>) target(%dma_start3A_129 : memref<16xi32, #tpu.memory_space<vmem>>) target_semaphore(%arg15 : memref<!tpu.dma_semaphore, #tpu.memory_space<semaphore_mem>>)
          %mul3A_131 = arith.constant 240 : i32
          %mul3A_132 = arith.muli %add3A, %mul3A_131 : i32
          %dma_start3A_133 = arith.constant 16 : i32
          %dma_start3A_134 = tpu.memref_slice %arg11[%dma_start3A_133] : memref<128xi32, #tpu.memory_space<vmem>> -> memref<112xi32, #tpu.memory_space<vmem>>
          %dma_start3A_135 = tpu.memref_slice %arg5[%mul3A_132] : memref<7680xi32, #tpu.memory_space<hbm>> -> memref<112xi32, #tpu.memory_space<hbm>>
          %dma_start3A_136 = arith.constant 16 : i32
          %dma_start3A_137 = tpu.memref_slice %arg11[%dma_start3A_136] : memref<128xi32, #tpu.memory_space<vmem>> -> memref<112xi32, #tpu.memory_space<vmem>>
          %dma_start3A_138 = tpu.memref_slice %arg5[%mul3A_132] : memref<7680xi32, #tpu.memory_space<hbm>> -> memref<112xi32, #tpu.memory_space<hbm>>
          tpu.enqueue_dma source(%dma_start3A_138 : memref<112xi32, #tpu.memory_space<hbm>>) target(%dma_start3A_137 : memref<112xi32, #tpu.memory_space<vmem>>) target_semaphore(%arg15 : memref<!tpu.dma_semaphore, #tpu.memory_space<semaphore_mem>>)
        } else {
        }
        %eq3A_114 = arith.constant 79 : i32
        %eq3A_115 = arith.cmpi eq, %add3A_89, %eq3A_114 : i32
        %convert_element_type3A_116 = arith.extui %eq3A_115 : i1 to i32
        %cond3A_117 = arith.constant 0 : i32
        %cond3A_118 = arith.cmpi ne, %convert_element_type3A_116, %cond3A_117 : i32
        scf.if %cond3A_118 {
          %mul3A_119 = arith.constant 240 : i32
          %mul3A_120 = arith.muli %add3A, %mul3A_119 : i32
          %add3A_121 = arith.constant 128 : i32
          %add3A_122 = arith.addi %mul3A_120, %add3A_121 : i32
          %sub3A = arith.constant 16 : i32
          %sub3A_123 = arith.subi %add3A_122, %sub3A : i32
          %dma_start3A_124 = tpu.memref_slice %arg5[%sub3A_123] : memref<7680xi32, #tpu.memory_space<hbm>> -> memref<128xi32, #tpu.memory_space<hbm>>
          %dma_start3A_125 = tpu.memref_slice %arg5[%sub3A_123] : memref<7680xi32, #tpu.memory_space<hbm>> -> memref<128xi32, #tpu.memory_space<hbm>>
          tpu.enqueue_dma source(%dma_start3A_125 : memref<128xi32, #tpu.memory_space<hbm>>) target(%arg11 : memref<128xi32, #tpu.memory_space<vmem>>) target_semaphore(%arg15 : memref<!tpu.dma_semaphore, #tpu.memory_space<semaphore_mem>>)
        } else {
        }
      } else {
      }
      %mul3A_67 = arith.constant 2 : i32
      %mul3A_68 = arith.muli %mul3A_67, %scan3A_50 : i32
      %add3A_69 = arith.constant 1 : i32
      %add3A_70 = arith.addi %mul3A_68, %add3A_69 : i32
      %add3A_71 = arith.constant 1 : i32
      %add3A_72 = arith.addi %add3A_70, %add3A_71 : i32
      %lt3A_73 = arith.constant 80 : i32
      %lt3A_74 = arith.cmpi slt, %add3A_72, %lt3A_73 : i32
      %convert_element_type3A_75 = arith.extui %lt3A_74 : i1 to i32
      %cond3A_76 = arith.constant 0 : i32
      %cond3A_77 = arith.cmpi ne, %convert_element_type3A_75, %cond3A_76 : i32
      scf.if %cond3A_77 {
        %dma_wait3A_88 = arith.constant 0 : i32
        %dma_wait3A_89 = tpu.memref_slice %arg3[%dma_wait3A_88] : memref<640000xi32, #tpu.memory_space<hbm>> -> memref<128xi32, #tpu.memory_space<hbm>>
        %dma_wait3A_90 = arith.constant 0 : i32
        %dma_wait3A_91 = tpu.memref_slice %arg3[%dma_wait3A_90] : memref<640000xi32, #tpu.memory_space<hbm>> -> memref<128xi32, #tpu.memory_space<hbm>>
        tpu.wait_dma2 semaphore(%arg15 : memref<!tpu.dma_semaphore, #tpu.memory_space<semaphore_mem>>) src(%dma_wait3A_91 : memref<128xi32, #tpu.memory_space<hbm>>) dst(%arg9 : memref<128xi32, #tpu.memory_space<vmem>>)
        %dma_wait3A_92 = arith.constant 0 : i32
        %dma_wait3A_93 = tpu.memref_slice %arg3[%dma_wait3A_92] : memref<640000xi32, #tpu.memory_space<hbm>> -> memref<128xi32, #tpu.memory_space<hbm>>
        %dma_wait3A_94 = arith.constant 0 : i32
        %dma_wait3A_95 = tpu.memref_slice %arg3[%dma_wait3A_94] : memref<640000xi32, #tpu.memory_space<hbm>> -> memref<128xi32, #tpu.memory_space<hbm>>
        tpu.wait_dma2 semaphore(%arg15 : memref<!tpu.dma_semaphore, #tpu.memory_space<semaphore_mem>>) src(%dma_wait3A_95 : memref<128xi32, #tpu.memory_space<hbm>>) dst(%arg11 : memref<128xi32, #tpu.memory_space<vmem>>)
        %dma_start3A_96 = arith.constant 0 : i32
        %dma_start3A_97 = arith.constant 0 : i32
        %dma_start3A_98 = tpu.memref_slice %arg2[%dma_start3A_96, %dma_start3A_97] : memref<10000x128xf32, #tpu.memory_space<hbm>> -> memref<10000x128xf32, #tpu.memory_space<hbm>>
        tpu.enqueue_indirect_dma source(%dma_start3A_98 : memref<10000x128xf32, #tpu.memory_space<hbm>>) target(%arg13 : memref<128x128xf32, #tpu.memory_space<vmem>>) offsets(%arg9 : memref<128xi32, #tpu.memory_space<vmem>>) semaphore(%arg17 : memref<!tpu.dma_semaphore, #tpu.memory_space<semaphore_mem>>)
      } else {
      }
      %dma_wait3A_78 = arith.constant 0 : i32
      %dma_wait3A_79 = arith.constant 0 : i32
      %dma_wait3A_80 = tpu.memref_slice %arg2[%dma_wait3A_78, %dma_wait3A_79] : memref<10000x128xf32, #tpu.memory_space<hbm>> -> memref<10000x128xf32, #tpu.memory_space<hbm>>
      tpu.wait_indirect_dma semaphore(%arg18 : memref<!tpu.dma_semaphore, #tpu.memory_space<semaphore_mem>>) src(%dma_wait3A_80 : memref<10000x128xf32, #tpu.memory_space<hbm>>) dst(%arg14 : memref<128x128xf32, #tpu.memory_space<vmem>>)
      "tpu.region"() ({
        %run_scoped3A = tpu.sem_alloc : memref<!tpu.dma_semaphore, #tpu.memory_space<semaphore_mem>>
        %dma_start3A_88 = arith.constant 0 : i32
        %dma_start3A_89 = arith.constant 0 : i32
        %dma_start3A_90 = tpu.memref_slice %arg8[%dma_start3A_88, %dma_start3A_89] : memref<10240x128xf32, #tpu.memory_space<vmem_shared>> -> memref<10240x128xf32, #tpu.memory_space<vmem_shared>>
        tpu.enqueue_indirect_dma source(%arg14 : memref<128x128xf32, #tpu.memory_space<vmem>>) target(%dma_start3A_90 : memref<10240x128xf32, #tpu.memory_space<vmem_shared>>) offsets(%arg12 : memref<128xi32, #tpu.memory_space<vmem>>) semaphore(%run_scoped3A : memref<!tpu.dma_semaphore, #tpu.memory_space<semaphore_mem>>) {add = true}
        %dma_wait3A_91 = arith.constant 0 : i32
        %dma_wait3A_92 = arith.constant 0 : i32
        %dma_wait3A_93 = tpu.memref_slice %arg8[%dma_wait3A_91, %dma_wait3A_92] : memref<10240x128xf32, #tpu.memory_space<vmem_shared>> -> memref<10240x128xf32, #tpu.memory_space<vmem_shared>>
        tpu.wait_indirect_dma semaphore(%run_scoped3A : memref<!tpu.dma_semaphore, #tpu.memory_space<semaphore_mem>>) src(%arg14 : memref<128x128xf32, #tpu.memory_space<vmem>>) dst(%dma_wait3A_93 : memref<10240x128xf32, #tpu.memory_space<vmem_shared>>)
        tpu.yield
      }) : () -> ()
      %add3A_81 = arith.constant 2 : i32
      %add3A_82 = arith.addi %add3A_70, %add3A_81 : i32
      %lt3A_83 = arith.constant 80 : i32
      %lt3A_84 = arith.cmpi slt, %add3A_82, %lt3A_83 : i32
      %convert_element_type3A_85 = arith.extui %lt3A_84 : i1 to i32
      %cond3A_86 = arith.constant 0 : i32
      %cond3A_87 = arith.cmpi ne, %convert_element_type3A_85, %cond3A_86 : i32
      scf.if %cond3A_87 {
        %add3A_88 = arith.constant 2 : i32
        %add3A_89 = arith.addi %add3A_70, %add3A_88 : i32
        %lt3A_90 = arith.constant 78 : i32
        %lt3A_91 = arith.cmpi slt, %add3A_89, %lt3A_90 : i32
        %convert_element_type3A_92 = arith.extui %lt3A_91 : i1 to i32
        %cond3A_93 = arith.constant 0 : i32
        %cond3A_94 = arith.cmpi ne, %convert_element_type3A_92, %cond3A_93 : i32
        scf.if %cond3A_94 {
          %mul3A_119 = arith.constant 10000 : i32
          %mul3A_120 = arith.muli %add3A, %mul3A_119 : i32
          %add3A_121 = arith.constant 0 : i32
          %add3A_122 = arith.addi %add3A_121, %mul3A_120 : i32
          %mul3A_123 = arith.constant 128 : i32
          %mul3A_124 = arith.muli %add3A_89, %mul3A_123 : i32
          %add3A_125 = arith.addi %add3A_122, %mul3A_124 : i32
          %dma_start3A_126 = tpu.memref_slice %arg3[%add3A_125] : memref<640000xi32, #tpu.memory_space<hbm>> -> memref<128xi32, #tpu.memory_space<hbm>>
          %dma_start3A_127 = tpu.memref_slice %arg3[%add3A_125] : memref<640000xi32, #tpu.memory_space<hbm>> -> memref<128xi32, #tpu.memory_space<hbm>>
          tpu.enqueue_dma source(%dma_start3A_127 : memref<128xi32, #tpu.memory_space<hbm>>) target(%arg10 : memref<128xi32, #tpu.memory_space<vmem>>) target_semaphore(%arg16 : memref<!tpu.dma_semaphore, #tpu.memory_space<semaphore_mem>>)
        } else {
        }
        %eq3A = arith.constant 78 : i32
        %eq3A_95 = arith.cmpi eq, %add3A_89, %eq3A : i32
        %convert_element_type3A_96 = arith.extui %eq3A_95 : i1 to i32
        %cond3A_97 = arith.constant 0 : i32
        %cond3A_98 = arith.cmpi ne, %convert_element_type3A_96, %cond3A_97 : i32
        scf.if %cond3A_98 {
          %mul3A_119 = arith.constant 10000 : i32
          %mul3A_120 = arith.muli %add3A, %mul3A_119 : i32
          %add3A_121 = arith.constant 0 : i32
          %add3A_122 = arith.addi %add3A_121, %mul3A_120 : i32
          %add3A_123 = arith.constant 9984 : i32
          %add3A_124 = arith.addi %add3A_122, %add3A_123 : i32
          %dma_start3A_125 = arith.constant 0 : i32
          %dma_start3A_126 = tpu.memref_slice %arg10[%dma_start3A_125] : memref<128xi32, #tpu.memory_space<vmem>> -> memref<16xi32, #tpu.memory_space<vmem>>
          %dma_start3A_127 = tpu.memref_slice %arg3[%add3A_124] : memref<640000xi32, #tpu.memory_space<hbm>> -> memref<16xi32, #tpu.memory_space<hbm>>
          %dma_start3A_128 = arith.constant 0 : i32
          %dma_start3A_129 = tpu.memref_slice %arg10[%dma_start3A_128] : memref<128xi32, #tpu.memory_space<vmem>> -> memref<16xi32, #tpu.memory_space<vmem>>
          %dma_start3A_130 = tpu.memref_slice %arg3[%add3A_124] : memref<640000xi32, #tpu.memory_space<hbm>> -> memref<16xi32, #tpu.memory_space<hbm>>
          tpu.enqueue_dma source(%dma_start3A_130 : memref<16xi32, #tpu.memory_space<hbm>>) target(%dma_start3A_129 : memref<16xi32, #tpu.memory_space<vmem>>) target_semaphore(%arg16 : memref<!tpu.dma_semaphore, #tpu.memory_space<semaphore_mem>>)
          %mul3A_131 = arith.constant 240 : i32
          %mul3A_132 = arith.muli %add3A, %mul3A_131 : i32
          %dma_start3A_133 = arith.constant 16 : i32
          %dma_start3A_134 = tpu.memref_slice %arg10[%dma_start3A_133] : memref<128xi32, #tpu.memory_space<vmem>> -> memref<112xi32, #tpu.memory_space<vmem>>
          %dma_start3A_135 = tpu.memref_slice %arg4[%mul3A_132] : memref<7680xi32, #tpu.memory_space<hbm>> -> memref<112xi32, #tpu.memory_space<hbm>>
          %dma_start3A_136 = arith.constant 16 : i32
          %dma_start3A_137 = tpu.memref_slice %arg10[%dma_start3A_136] : memref<128xi32, #tpu.memory_space<vmem>> -> memref<112xi32, #tpu.memory_space<vmem>>
          %dma_start3A_138 = tpu.memref_slice %arg4[%mul3A_132] : memref<7680xi32, #tpu.memory_space<hbm>> -> memref<112xi32, #tpu.memory_space<hbm>>
          tpu.enqueue_dma source(%dma_start3A_138 : memref<112xi32, #tpu.memory_space<hbm>>) target(%dma_start3A_137 : memref<112xi32, #tpu.memory_space<vmem>>) target_semaphore(%arg16 : memref<!tpu.dma_semaphore, #tpu.memory_space<semaphore_mem>>)
        } else {
        }
        %eq3A_99 = arith.constant 79 : i32
        %eq3A_100 = arith.cmpi eq, %add3A_89, %eq3A_99 : i32
        %convert_element_type3A_101 = arith.extui %eq3A_100 : i1 to i32
        %cond3A_102 = arith.constant 0 : i32
        %cond3A_103 = arith.cmpi ne, %convert_element_type3A_101, %cond3A_102 : i32
        scf.if %cond3A_103 {
          %mul3A_119 = arith.constant 240 : i32
          %mul3A_120 = arith.muli %add3A, %mul3A_119 : i32
          %add3A_121 = arith.constant 128 : i32
          %add3A_122 = arith.addi %mul3A_120, %add3A_121 : i32
          %sub3A = arith.constant 16 : i32
          %sub3A_123 = arith.subi %add3A_122, %sub3A : i32
          %dma_start3A_124 = tpu.memref_slice %arg4[%sub3A_123] : memref<7680xi32, #tpu.memory_space<hbm>> -> memref<128xi32, #tpu.memory_space<hbm>>
          %dma_start3A_125 = tpu.memref_slice %arg4[%sub3A_123] : memref<7680xi32, #tpu.memory_space<hbm>> -> memref<128xi32, #tpu.memory_space<hbm>>
          tpu.enqueue_dma source(%dma_start3A_125 : memref<128xi32, #tpu.memory_space<hbm>>) target(%arg10 : memref<128xi32, #tpu.memory_space<vmem>>) target_semaphore(%arg16 : memref<!tpu.dma_semaphore, #tpu.memory_space<semaphore_mem>>)
        } else {
        }
        %lt3A_104 = arith.constant 78 : i32
        %lt3A_105 = arith.cmpi slt, %add3A_89, %lt3A_104 : i32
        %convert_element_type3A_106 = arith.extui %lt3A_105 : i1 to i32
        %cond3A_107 = arith.constant 0 : i32
        %cond3A_108 = arith.cmpi ne, %convert_element_type3A_106, %cond3A_107 : i32
        scf.if %cond3A_108 {
          %mul3A_119 = arith.constant 10000 : i32
          %mul3A_120 = arith.muli %add3A, %mul3A_119 : i32
          %add3A_121 = arith.constant 320000 : i32
          %add3A_122 = arith.addi %add3A_121, %mul3A_120 : i32
          %mul3A_123 = arith.constant 128 : i32
          %mul3A_124 = arith.muli %add3A_89, %mul3A_123 : i32
          %add3A_125 = arith.addi %add3A_122, %mul3A_124 : i32
          %dma_start3A_126 = tpu.memref_slice %arg3[%add3A_125] : memref<640000xi32, #tpu.memory_space<hbm>> -> memref<128xi32, #tpu.memory_space<hbm>>
          %dma_start3A_127 = tpu.memref_slice %arg3[%add3A_125] : memref<640000xi32, #tpu.memory_space<hbm>> -> memref<128xi32, #tpu.memory_space<hbm>>
          tpu.enqueue_dma source(%dma_start3A_127 : memref<128xi32, #tpu.memory_space<hbm>>) target(%arg12 : memref<128xi32, #tpu.memory_space<vmem>>) target_semaphore(%arg16 : memref<!tpu.dma_semaphore, #tpu.memory_space<semaphore_mem>>)
        } else {
        }
        %eq3A_109 = arith.constant 78 : i32
        %eq3A_110 = arith.cmpi eq, %add3A_89, %eq3A_109 : i32
        %convert_element_type3A_111 = arith.extui %eq3A_110 : i1 to i32
        %cond3A_112 = arith.constant 0 : i32
        %cond3A_113 = arith.cmpi ne, %convert_element_type3A_111, %cond3A_112 : i32
        scf.if %cond3A_113 {
          %mul3A_119 = arith.constant 10000 : i32
          %mul3A_120 = arith.muli %add3A, %mul3A_119 : i32
          %add3A_121 = arith.constant 320000 : i32
          %add3A_122 = arith.addi %add3A_121, %mul3A_120 : i32
          %add3A_123 = arith.constant 9984 : i32
          %add3A_124 = arith.addi %add3A_122, %add3A_123 : i32
          %dma_start3A_125 = arith.constant 0 : i32
          %dma_start3A_126 = tpu.memref_slice %arg12[%dma_start3A_125] : memref<128xi32, #tpu.memory_space<vmem>> -> memref<16xi32, #tpu.memory_space<vmem>>
          %dma_start3A_127 = tpu.memref_slice %arg3[%add3A_124] : memref<640000xi32, #tpu.memory_space<hbm>> -> memref<16xi32, #tpu.memory_space<hbm>>
          %dma_start3A_128 = arith.constant 0 : i32
          %dma_start3A_129 = tpu.memref_slice %arg12[%dma_start3A_128] : memref<128xi32, #tpu.memory_space<vmem>> -> memref<16xi32, #tpu.memory_space<vmem>>
          %dma_start3A_130 = tpu.memref_slice %arg3[%add3A_124] : memref<640000xi32, #tpu.memory_space<hbm>> -> memref<16xi32, #tpu.memory_space<hbm>>
          tpu.enqueue_dma source(%dma_start3A_130 : memref<16xi32, #tpu.memory_space<hbm>>) target(%dma_start3A_129 : memref<16xi32, #tpu.memory_space<vmem>>) target_semaphore(%arg16 : memref<!tpu.dma_semaphore, #tpu.memory_space<semaphore_mem>>)
          %mul3A_131 = arith.constant 240 : i32
          %mul3A_132 = arith.muli %add3A, %mul3A_131 : i32
          %dma_start3A_133 = arith.constant 16 : i32
          %dma_start3A_134 = tpu.memref_slice %arg12[%dma_start3A_133] : memref<128xi32, #tpu.memory_space<vmem>> -> memref<112xi32, #tpu.memory_space<vmem>>
          %dma_start3A_135 = tpu.memref_slice %arg5[%mul3A_132] : memref<7680xi32, #tpu.memory_space<hbm>> -> memref<112xi32, #tpu.memory_space<hbm>>
          %dma_start3A_136 = arith.constant 16 : i32
          %dma_start3A_137 = tpu.memref_slice %arg12[%dma_start3A_136] : memref<128xi32, #tpu.memory_space<vmem>> -> memref<112xi32, #tpu.memory_space<vmem>>
          %dma_start3A_138 = tpu.memref_slice %arg5[%mul3A_132] : memref<7680xi32, #tpu.memory_space<hbm>> -> memref<112xi32, #tpu.memory_space<hbm>>
          tpu.enqueue_dma source(%dma_start3A_138 : memref<112xi32, #tpu.memory_space<hbm>>) target(%dma_start3A_137 : memref<112xi32, #tpu.memory_space<vmem>>) target_semaphore(%arg16 : memref<!tpu.dma_semaphore, #tpu.memory_space<semaphore_mem>>)
        } else {
        }
        %eq3A_114 = arith.constant 79 : i32
        %eq3A_115 = arith.cmpi eq, %add3A_89, %eq3A_114 : i32
        %convert_element_type3A_116 = arith.extui %eq3A_115 : i1 to i32
        %cond3A_117 = arith.constant 0 : i32
        %cond3A_118 = arith.cmpi ne, %convert_element_type3A_116, %cond3A_117 : i32
        scf.if %cond3A_118 {
          %mul3A_119 = arith.constant 240 : i32
          %mul3A_120 = arith.muli %add3A, %mul3A_119 : i32
          %add3A_121 = arith.constant 128 : i32
          %add3A_122 = arith.addi %mul3A_120, %add3A_121 : i32
          %sub3A = arith.constant 16 : i32
          %sub3A_123 = arith.subi %add3A_122, %sub3A : i32
          %dma_start3A_124 = tpu.memref_slice %arg5[%sub3A_123] : memref<7680xi32, #tpu.memory_space<hbm>> -> memref<128xi32, #tpu.memory_space<hbm>>
          %dma_start3A_125 = tpu.memref_slice %arg5[%sub3A_123] : memref<7680xi32, #tpu.memory_space<hbm>> -> memref<128xi32, #tpu.memory_space<hbm>>
          tpu.enqueue_dma source(%dma_start3A_125 : memref<128xi32, #tpu.memory_space<hbm>>) target(%arg12 : memref<128xi32, #tpu.memory_space<vmem>>) target_semaphore(%arg16 : memref<!tpu.dma_semaphore, #tpu.memory_space<semaphore_mem>>)
        } else {
        }
      } else {
      }
    }
    %scan3A_48 = arith.constant 40 : i32
    "tpu.trace_stop"() : () -> ()
    %barrier3A_49 = arith.constant 0 : index
    tpu.barrier barrier_id(%barrier3A_49)
    "tpu.region"() ({
      %run_scoped3A = tpu.sem_alloc : memref<!tpu.dma_semaphore, #tpu.memory_space<semaphore_mem>>
      %dma_start3A_50 = arith.constant 0 : i32
      %dma_start3A_51 = tpu.memref_slice %arg7[%arg0, %mul3A_2, %dma_start3A_50] : memref<2x10240x128xf32, #tpu.memory_space<hbm>> -> memref<1x640x128xf32, #tpu.memory_space<hbm>>
      %dma_start3A_52 = tpu.memref_squeeze %dma_start3A_51 : memref<1x640x128xf32, #tpu.memory_space<hbm>> -> memref<640x128xf32, #tpu.memory_space<hbm>>
      %dma_start3A_53 = arith.constant 0 : i32
      %dma_start3A_54 = tpu.memref_slice %arg8[%mul3A_2, %dma_start3A_53] : memref<10240x128xf32, #tpu.memory_space<vmem_shared>> -> memref<640x128xf32, #tpu.memory_space<vmem_shared>>
      tpu.enqueue_dma source(%dma_start3A_54 : memref<640x128xf32, #tpu.memory_space<vmem_shared>>) target(%dma_start3A_52 : memref<640x128xf32, #tpu.memory_space<hbm>>) target_semaphore(%run_scoped3A : memref<!tpu.dma_semaphore, #tpu.memory_space<semaphore_mem>>)
      %dma_wait3A_55 = arith.constant 0 : i32
      %dma_wait3A_56 = tpu.memref_slice %arg7[%arg0, %mul3A_2, %dma_wait3A_55] : memref<2x10240x128xf32, #tpu.memory_space<hbm>> -> memref<1x640x128xf32, #tpu.memory_space<hbm>>
      %dma_wait3A_57 = tpu.memref_squeeze %dma_wait3A_56 : memref<1x640x128xf32, #tpu.memory_space<hbm>> -> memref<640x128xf32, #tpu.memory_space<hbm>>
      %dma_wait3A_58 = arith.constant 0 : i32
      %dma_wait3A_59 = tpu.memref_slice %arg8[%mul3A_2, %dma_wait3A_58] : memref<10240x128xf32, #tpu.memory_space<vmem_shared>> -> memref<640x128xf32, #tpu.memory_space<vmem_shared>>
      tpu.wait_dma2 semaphore(%run_scoped3A : memref<!tpu.dma_semaphore, #tpu.memory_space<semaphore_mem>>) src(%dma_wait3A_59 : memref<640x128xf32, #tpu.memory_space<vmem_shared>>) dst(%dma_wait3A_57 : memref<640x128xf32, #tpu.memory_space<hbm>>)
      tpu.yield
    }) : () -> ()
    return
  }
}

module attributes {stable_mosaic.version = 14 : i64} {
  func.func @_tc_a_body(%arg0: memref<2x10240x128xf32, #tpu.memory_space<vmem>>, %arg1: memref<128x128xf32, #tpu.memory_space<vmem>>, %arg2: memref<10240x128xf32, #tpu.memory_space<vmem>>) attributes {dimension_semantics = [], scalar_prefetch = 0 : i64, scratch_operands = 0 : i64, tpu.core_type = #tpu.core_type<tc>} {
    %get3A = arith.constant 0 : index
    %get3A_0 = arith.constant 0 : index
    %get3A_1 = arith.constant 0 : index
    %get3A_2 = vector.load %arg0[%get3A, %get3A_0, %get3A_1] : memref<2x10240x128xf32, #tpu.memory_space<vmem>>, vector<1x10240x128xf32>
    %get3A_3 = vector.shape_cast %get3A_2 : vector<1x10240x128xf32> to vector<10240x128xf32>
    %get3A_4 = arith.constant 1 : index
    %get3A_5 = arith.constant 0 : index
    %get3A_6 = arith.constant 0 : index
    %get3A_7 = vector.load %arg0[%get3A_4, %get3A_5, %get3A_6] : memref<2x10240x128xf32, #tpu.memory_space<vmem>>, vector<1x10240x128xf32>
    %get3A_8 = vector.shape_cast %get3A_7 : vector<1x10240x128xf32> to vector<10240x128xf32>
    %add3A = arith.addf %get3A_3, %get3A_8 : vector<10240x128xf32>
    %get3A_9 = arith.constant 0 : index
    %get3A_10 = arith.constant 0 : index
    %get3A_11 = vector.load %arg1[%get3A_9, %get3A_10] : memref<128x128xf32, #tpu.memory_space<vmem>>, vector<128x128xf32>
    %dot_general3A = arith.constant dense<0.000000e+00> : vector<10240x128xf32>
    %dot_general3A_12 = tpu.matmul %add3A, %get3A_11, %dot_general3A {dimension_numbers = #tpu.dot_dimension_numbers<[1], [0], [0], [1], [0, 0, 1, 1], [], []>, precision = #tpu.contract_precision<fp32>, transpose_lhs_hint = false} : vector<10240x128xf32>, vector<128x128xf32>, vector<10240x128xf32> -> vector<10240x128xf32>
    %swap3A = arith.constant 0 : index
    %swap3A_13 = arith.constant 0 : index
    %swap3A_14 = vector.load %arg2[%swap3A, %swap3A_13] : memref<10240x128xf32, #tpu.memory_space<vmem>>, vector<10240x128xf32>
    tpu.vector_store %arg2[%swap3A, %swap3A_13], %dot_general3A_12 {strides = array<i32>} : memref<10240x128xf32, #tpu.memory_space<vmem>>, vector<10240x128xf32>,
    return
  }
}

module attributes {stable_mosaic.version = 14 : i64} {
  func.func @_tc_b_body(%arg0: memref<10240x128xf32, #tpu.memory_space<vmem>>, %arg1: memref<2x10240x128xf32, #tpu.memory_space<vmem>>, %arg2: memref<1x10240xi32, #tpu.memory_space<vmem>>, %arg3: memref<1x128xf32, #tpu.memory_space<vmem>>, %arg4: memref<128x128xf32, #tpu.memory_space<vmem>>, %arg5: memref<1x128xf32, #tpu.memory_space<vmem>>, %arg6: memref<128x10xf32, #tpu.memory_space<vmem>>, %arg7: memref<1x10xf32, #tpu.memory_space<vmem>>, %arg8: memref<64x10xf32, #tpu.memory_space<vmem>>) attributes {dimension_semantics = [], scalar_prefetch = 0 : i64, scratch_operands = 0 : i64, tpu.core_type = #tpu.core_type<tc>} {
    %get3A = arith.constant 0 : index
    %get3A_0 = arith.constant 0 : index
    %get3A_1 = arith.constant 0 : index
    %get3A_2 = vector.load %arg1[%get3A, %get3A_0, %get3A_1] : memref<2x10240x128xf32, #tpu.memory_space<vmem>>, vector<1x10240x1xf32>
    %get3A_3 = vector.shape_cast %get3A_2 : vector<1x10240x1xf32> to vector<10240x1xf32>
    %get3A_4 = arith.constant 1 : index
    %get3A_5 = arith.constant 0 : index
    %get3A_6 = arith.constant 0 : index
    %get3A_7 = vector.load %arg1[%get3A_4, %get3A_5, %get3A_6] : memref<2x10240x128xf32, #tpu.memory_space<vmem>>, vector<1x10240x1xf32>
    %get3A_8 = vector.shape_cast %get3A_7 : vector<1x10240x1xf32> to vector<10240x1xf32>
    %add3A = arith.addf %get3A_3, %get3A_8 : vector<10240x1xf32>
    %max3A = arith.constant 1.000000e+00 : f32
    %max3A_9 = vector.broadcast %max3A : f32 to vector<10240x1xf32>
    %max3A_10 = arith.maximumf %add3A, %max3A_9 : vector<10240x1xf32>
    %get3A_11 = arith.constant 0 : index
    %get3A_12 = arith.constant 0 : index
    %get3A_13 = vector.load %arg0[%get3A_11, %get3A_12] : memref<10240x128xf32, #tpu.memory_space<vmem>>, vector<10240x128xf32>
    %div3A = vector.broadcast %max3A_10 : vector<10240x1xf32> to vector<10240x128xf32>
    %div3A_14 = arith.divf %get3A_13, %div3A : vector<10240x128xf32>
    %get3A_15 = arith.constant 0 : index
    %get3A_16 = arith.constant 0 : index
    %get3A_17 = vector.load %arg3[%get3A_15, %get3A_16] : memref<1x128xf32, #tpu.memory_space<vmem>>, vector<1x128xf32>
    %add3A_18 = vector.broadcast %get3A_17 : vector<1x128xf32> to vector<10240x128xf32>
    %add3A_19 = arith.addf %div3A_14, %add3A_18 : vector<10240x128xf32>
    %max3A_20 = arith.constant 0.000000e+00 : f32
    %max3A_21 = vector.broadcast %max3A_20 : f32 to vector<10240x128xf32>
    %max3A_22 = arith.maximumf %add3A_19, %max3A_21 : vector<10240x128xf32>
    %get3A_23 = arith.constant 0 : index
    %get3A_24 = arith.constant 0 : index
    %get3A_25 = vector.load %arg2[%get3A_23, %get3A_24] : memref<1x10240xi32, #tpu.memory_space<vmem>>, vector<1x10240xi32>
    %iota3A = tpu.iota {dimensions = array<i32: 0>} : vector<64x10240xi32>
    %eq3A = vector.broadcast %get3A_25 : vector<1x10240xi32> to vector<64x10240xi32>
    %eq3A_26 = arith.cmpi eq, %eq3A, %iota3A : vector<64x10240xi32>
    %convert_element_type3A = arith.extui %eq3A_26 : vector<64x10240xi1> to vector<64x10240xi32>
    %convert_element_type3A_27 = arith.sitofp %convert_element_type3A : vector<64x10240xi32> to vector<64x10240xf32>
    %dot_general3A = arith.constant dense<0.000000e+00> : vector<64x128xf32>
    %dot_general3A_28 = tpu.matmul %convert_element_type3A_27, %max3A_22, %dot_general3A {dimension_numbers = #tpu.dot_dimension_numbers<[1], [0], [0], [1], [0, 0, 1, 1], [], []>, precision = #tpu.contract_precision<fp32>, transpose_lhs_hint = false} : vector<64x10240xf32>, vector<10240x128xf32>, vector<64x128xf32> -> vector<64x128xf32>
    %broadcast_in_dim3A = arith.constant 1.000000e+00 : f32
    %broadcast_in_dim3A_29 = vector.broadcast %broadcast_in_dim3A : f32 to vector<10240x1xf32>
    %dot_general3A_30 = arith.constant dense<0.000000e+00> : vector<64x1xf32>
    %dot_general3A_31 = tpu.matmul %convert_element_type3A_27, %broadcast_in_dim3A_29, %dot_general3A_30 {dimension_numbers = #tpu.dot_dimension_numbers<[1], [0], [0], [1], [0, 0, 1, 1], [], []>, precision = #tpu.contract_precision<fp32>, transpose_lhs_hint = false} : vector<64x10240xf32>, vector<10240x1xf32>, vector<64x1xf32> -> vector<64x1xf32>
    %max3A_32 = arith.constant 1.000000e+00 : f32
    %max3A_33 = vector.broadcast %max3A_32 : f32 to vector<64x1xf32>
    %max3A_34 = arith.maximumf %dot_general3A_31, %max3A_33 : vector<64x1xf32>
    %div3A_35 = vector.broadcast %max3A_34 : vector<64x1xf32> to vector<64x128xf32>
    %div3A_36 = arith.divf %dot_general3A_28, %div3A_35 : vector<64x128xf32>
    %get3A_37 = arith.constant 0 : index
    %get3A_38 = arith.constant 0 : index
    %get3A_39 = vector.load %arg4[%get3A_37, %get3A_38] : memref<128x128xf32, #tpu.memory_space<vmem>>, vector<128x128xf32>
    %dot_general3A_40 = arith.constant dense<0.000000e+00> : vector<64x128xf32>
    %dot_general3A_41 = tpu.matmul %div3A_36, %get3A_39, %dot_general3A_40 {dimension_numbers = #tpu.dot_dimension_numbers<[1], [0], [0], [1], [0, 0, 1, 1], [], []>, precision = #tpu.contract_precision<fp32>, transpose_lhs_hint = false} : vector<64x128xf32>, vector<128x128xf32>, vector<64x128xf32> -> vector<64x128xf32>
    %get3A_42 = arith.constant 0 : index
    %get3A_43 = arith.constant 0 : index
    %get3A_44 = vector.load %arg5[%get3A_42, %get3A_43] : memref<1x128xf32, #tpu.memory_space<vmem>>, vector<1x128xf32>
    %add3A_45 = vector.broadcast %get3A_44 : vector<1x128xf32> to vector<64x128xf32>
    %add3A_46 = arith.addf %dot_general3A_41, %add3A_45 : vector<64x128xf32>
    %max3A_47 = arith.constant 0.000000e+00 : f32
    %max3A_48 = vector.broadcast %max3A_47 : f32 to vector<64x128xf32>
    %max3A_49 = arith.maximumf %add3A_46, %max3A_48 : vector<64x128xf32>
    %get3A_50 = arith.constant 0 : index
    %get3A_51 = arith.constant 0 : index
    %get3A_52 = vector.load %arg6[%get3A_50, %get3A_51] : memref<128x10xf32, #tpu.memory_space<vmem>>, vector<128x10xf32>
    %dot_general3A_53 = arith.constant dense<0.000000e+00> : vector<64x10xf32>
    %dot_general3A_54 = tpu.matmul %max3A_49, %get3A_52, %dot_general3A_53 {dimension_numbers = #tpu.dot_dimension_numbers<[1], [0], [0], [1], [0, 0, 1, 1], [], []>, precision = #tpu.contract_precision<fp32>, transpose_lhs_hint = false} : vector<64x128xf32>, vector<128x10xf32>, vector<64x10xf32> -> vector<64x10xf32>
    %get3A_55 = arith.constant 0 : index
    %get3A_56 = arith.constant 0 : index
    %get3A_57 = vector.load %arg7[%get3A_55, %get3A_56] : memref<1x10xf32, #tpu.memory_space<vmem>>, vector<1x10xf32>
    %add3A_58 = vector.broadcast %get3A_57 : vector<1x10xf32> to vector<64x10xf32>
    %add3A_59 = arith.addf %dot_general3A_54, %add3A_58 : vector<64x10xf32>
    %swap3A = arith.constant 0 : index
    %swap3A_60 = arith.constant 0 : index
    %swap3A_61 = vector.load %arg8[%swap3A, %swap3A_60] : memref<64x10xf32, #tpu.memory_space<vmem>>, vector<64x10xf32>
    tpu.vector_store %arg8[%swap3A, %swap3A_60], %add3A_59 {strides = array<i32>} : memref<64x10xf32, #tpu.memory_space<vmem>>, vector<64x10xf32>,
    return
  }
}

</mosaic_0001>

<sc_bundles>
// kernel: kernel.6.cloned.1.call-start
scs
__scs_entry_jumppad:
0x0: {  	(pc) =	sbr.rel $0x88, $3  }
0x1: {  	(tag) =	ssettag $0x0;
	lr =	simm.s32 $0x1  }
0x2: {  	[smem:$0x3F98] =	sst lr;
	_ =	strace $0xD0000000  }
0x3: {  	_ = 	snop  }
0x4: {  	_ = 	snop  }
0x5: {  	_ = 	snop  }
0x6: {  	_ = 	snop  }
0x7: {  	_ = 	snop  }
__scs_overlays_trampoline_lowered:
0x8: {  	[smem:$0x3FA7] =	sst s0  }
0x9: {  	[smem:$0x3FA8] =	sst s1  }
0xa: {  	[smem:$0x3FA9] =	sst s2  }
0xb: {  	[smem:$0x3FAA] =	sst s3  }
0xc: {  	[smem:$0x3FAB] =	sst s4  }
0xd: {  	[smem:$0x3FAC] =	sst s5  }
0xe: {  	[smem:$0x3FAD] =	sst s6  }
0xf: {  	[smem:$0x3FAE] =	sst s7  }
0x10: {  	[smem:$0x3FAF] =	sst s8  }
0x11: {  	[smem:$0x3FB0] =	sst s9;
	s0 =	simm.s32 @!p0 $0x0  }
0x12: {  	s1 =	sld [smem:$0x3F96];
	s0 =	simm.s32 @p0 $0x1  }
0x13: {  	[smem:$0x3FB1] =	sst s0;
	s0 =	simm.s32 @!p1 $0x0  }
0x14: {  	s2 =	sld [smem:$0x3F95];
	s0 =	simm.s32 @p1 $0x1  }
0x15: {  	[smem:$0x3FB2] =	sst s0;
	s0 =	simm.s32 @!p2 $0x0  }
0x16: {  	s3 =	sld [smem:$0x3FDB];
	s0 =	simm.s32 @p2 $0x1  }
0x17: {  	s4 =	simm.s32 $0x1BF5;
	[smem:$0x3FB4] =	sst s0  }
0x18: {  	s0 =	sld [smem:$0x3F97];
	_ =	swait.ge [sflag:s4], $0x0  }
0x19: {  	s7 =	sld [smem:$0x3F98]  }
0x1a: {  	s8 =	sadd.s32 $0xFFFFE003, lr  }
0x1b: {  	s9 =	sadd.s32 $0xFFFFFEF7, lr;
	s5 =	simm.s32 $0xFFFFFFFF;
	p2 =	slt.u32 s8, $0xFFFFF086  }
0x1c: {  	p1 =	slt.u32 s9, $0xF7A;
	s5 =	simm.s32 @!p2 $0x0  }
0x1d: {  	s5 =	simm.s32 @p1 $0x1;
	p0 =	seq.s32 s7, s2  }
0x1e: {  	s7 =	smul.u32 @!p0 $0xF7A, s2;
	p2 =	seq.s32 @!p0 s5, $0x0  }
0x1f: {  	s9 =	smul.u32 $0xF7A, s1;
	s8 =	simm.s32 @!p0 $0x1BF5;
	p2 =	por !p2, p0  }
0x20: {  	[sflag:s8] =	ssyncset.s32 @!p0 $0xFFFFF086;
	s6 =	sadd.s32 @!p0 s3, s7;
	s7 =	simm.s32 @!p0 $0x108  }
0x21: {  	s3 =	sadd.s32 s3, s9;
	s6 =	sadd.s32 @!p0 $0x88, s6;
	s7 =	simm.s32 @p2 $0x1082  }
0x22: {  	[simem:s7], [sflag:s8] =	dma.local @!p0 [hbm:s6], $0xF7A  }
0x23: {  	s9 =	sor.u32 $0xD0000000, s2;
	s6 =	simm.s32 $0x108;
	_ =	swait.ge @!p0 [sflag:s8], $0x0  }
0x24: {  	s3 =	sadd.s32 $0x88, s3;
	s6 =	simm.s32 @!p1 $0x1082;
	[sflag:s4] =	ssyncset.s32 $0xFFFFF086  }
0x25: {  	[simem:s6], [sflag:s4] =	dma.local [hbm:s3], $0xF7A  }
0x26: {  	[smem:$0x3F98] =	sst s1;
	(tag) =	ssettag s2;
	_ =	strace s9  }
0x27: {  	s1 =	sld [smem:$0x3FA8]  }
0x28: {  	s2 =	sld [smem:$0x3FA9]  }
0x29: {  	s4 =	sld [smem:$0x3FAB]  }
0x2a: {  	p0 =	seq.s32 s5, $0x0;
	s5 =	sld [smem:$0x3FAC]  }
0x2b: {  	s6 =	sld [smem:$0x3FAD]  }
0x2c: {  	s7 =	sld [smem:$0x3FAE]  }
0x2d: {  	s3 =	simm.s32 $0x108;
	s8 =	sld [smem:$0x3FAF]  }
0x2e: {  	s3 =	simm.s32 @!p0 $0x1082;
	s9 =	sld [smem:$0x3FB0]  }
0x2f: {  	lr =	sadd.s32 s0, s3;
	s0 =	sld [smem:$0x3FA7]  }
0x30: {  	s3 =	sld [smem:$0x3FAA]  }
0x31: {  	[smem:$0x3FB3] =	sst s10  }
0x32: {  	s10 =	sld [smem:$0x3FB1];
	_ =	sdelay $0x3  }
0x33: {  	p0 =	seq.s32 s10, $0x1;
	s10 =	sld [smem:$0x3FB3];
	_ =	sdelay $0x3  }
0x34: {  	[smem:$0x3FB3] =	sst s10  }
0x35: {  	s10 =	sld [smem:$0x3FB2];
	_ =	sdelay $0x3  }
0x36: {  	p1 =	seq.s32 s10, $0x1;
	s10 =	sld [smem:$0x3FB3];
	_ =	sdelay $0x3  }
0x37: {  	[smem:$0x3FB3] =	sst s10  }
0x38: {  	s10 =	sld [smem:$0x3FB4]  }
0x39: {  	_ = 	snop;
	(pc) =	sbr.ind lr, $3  }
0x3a: {  	_ = 	snop  }
0x3b: {  	_ = 	snop  }
0x3c: {  	p2 =	seq.s32 s10, $0x1;
	s10 =	sld [smem:$0x3FB3]  }
0x3d: {  	_ =	shalt  }
0x3e: {  	_ =	shalt  }
0x3f: {  	_ =	shalt  }
0x40: {  	_ =	shalt  }
0x41: {  	_ =	shalt  }
0x42: {  	_ =	shalt  }
0x43: {  	_ =	shalt  }
0x44: {  	_ =	shalt  }
0x45: {  	_ =	shalt  }
0x46: {  	_ =	shalt  }
0x47: {  	_ =	shalt  }
0x48: {  	_ =	shalt  }
0x49: {  	_ =	shalt  }
0x4a: {  	_ =	shalt  }
0x4b: {  	_ =	shalt  }
0x4c: {  	_ =	shalt  }
0x4d: {  	_ =	shalt  }
0x4e: {  	_ =	shalt  }
0x4f: {  	_ =	shalt  }
0x50: {  	_ =	shalt  }
0x51: {  	_ =	shalt  }
0x52: {  	_ =	shalt  }
0x53: {  	_ =	shalt  }
0x54: {  	_ =	shalt  }
0x55: {  	_ =	shalt  }
0x56: {  	_ =	shalt  }
0x57: {  	_ =	shalt  }
0x58: {  	_ =	shalt  }
0x59: {  	_ =	shalt  }
0x5a: {  	_ =	shalt  }
0x5b: {  	_ =	shalt  }
0x5c: {  	_ =	shalt  }
0x5d: {  	_ =	shalt  }
0x5e: {  	_ =	shalt  }
0x5f: {  	_ =	shalt  }
0x60: {  	_ =	shalt  }
0x61: {  	_ =	shalt  }
0x62: {  	_ =	shalt  }
0x63: {  	_ =	shalt  }
0x64: {  	_ =	shalt  }
0x65: {  	_ =	shalt  }
0x66: {  	_ =	shalt  }
0x67: {  	_ =	shalt  }
0x68: {  	_ =	shalt  }
0x69: {  	_ =	shalt  }
0x6a: {  	_ =	shalt  }
0x6b: {  	_ =	shalt  }
0x6c: {  	_ =	shalt  }
0x6d: {  	_ =	shalt  }
0x6e: {  	_ =	shalt  }
0x6f: {  	_ =	shalt  }
0x70: {  	_ =	shalt  }
0x71: {  	_ =	shalt  }
0x72: {  	_ =	shalt  }
0x73: {  	_ =	shalt  }
0x74: {  	_ =	shalt  }
0x75: {  	_ =	shalt  }
0x76: {  	_ =	shalt  }
0x77: {  	_ =	shalt  }
0x78: {  	_ =	shalt  }
0x79: {  	_ =	shalt  }
0x7a: {  	_ =	shalt  }
0x7b: {  	_ =	shalt  }
0x7c: {  	_ =	shalt  }
0x7d: {  	_ =	shalt  }
0x7e: {  	_ =	shalt  }
0x7f: {  	_ =	shalt  }
0x80: {  	_ =	shalt  }
0x81: {  	_ =	shalt  }
0x82: {  	_ =	shalt  }
0x83: {  	_ =	shalt  }
0x84: {  	_ =	shalt  }
0x85: {  	_ =	shalt  }
0x86: {  	_ =	shalt  }
0x87: {  	_ =	shalt  }
.Lfunc_end0:
.L_simem_size_0:
called_computation_lowered:
.L_overlay_start_0:
0x88: {  	s2 =	sld [smem:$0x3FD9]  }
0x89: {  	s3 =	sld [smem:$0x3FFE];
	_ =	sdelay $0x1  }
0x8a: {  	s1 =	srdreg.scid  }
0x8b: {  	s0 =	sand.u32 $0x1, s1  }
0x8c: {  	s17 =	sshll.u32 s0, $0xA;
	s2 =	sadd.s32 s3, s2  }
0x8d: {  	s2 =	sadd.s32 s2, s17  }
0x8e: {  	[smem:$0x3FBF] =	sst s2  }
0x8f: {  	_ = 	snop  }
0x90: {  	s2 =	sld [smem:$0x3FC9];
	(tm) =	ssettm $0x1  }
0x91: {  	s18 =	sld [smem:$0x3FFB];
	_ =	sdelay $0x3  }
0x92: {  	_ =	strace s18  }
0x93: {  	s3 =	sld [smem:$0x3FFC];
	_ =	sdelay $0x3  }
0x94: {  	_ =	strace s3  }
0x95: {  	s3 =	sld [smem:$0x3FFD];
	_ =	sdelay $0x3  }
0x96: {  	_ =	strace s3  }
0x97: {  	_ =	strace $0x8FFFFFFF  }
0x98: {  	s19 =	sld [smem:$0x3FDB];
	_ =	sdelay $0x1  }
0x99: {  	s4 =	simm.s32 $_scs_section_size  }
0x9a: {  	s5 =	simm.s32 $_size__tile_overlayer_lowered;
	s6 =	simm.s32 $_tile_overlayer_lowered  }
0x9b: {  	s22 =	simm.s32 $0x1BFF;
	s21 =	sshll.u32 s6, $0x1;
	s3 =	sadd.s32 s4, s19  }
0x9c: {  	s7 =	simm.s32 $0x0;
	s20 =	sshll.u32 s5, $0x1;
	s5 =	sadd.s32 s21, s3  }
0x9d: {  	[timem:s7], [sflag:s22] =	dma.local [hbm:s5], s20  }
0x9e: {  	_ =	swait.ge [sflag:s22], s20  }
0x9f: {  	s4 =	ssub.s32 $0x0, s20;
	[sflag:s22] =	ssyncset.done $0x0  }
0xa0: {  	[sflag:s22] =	ssyncadd.s32 s4;
	_ =	sdelay $0x1  }
0xa1: {  	s23 =	simm.s32 $0x1B8B  }
0xa2: {  	_ =	swait.ge [sflag:s23], $0x1  }
0xa3: {  	[sflag:s23] =	ssyncset.done $0x0  }
0xa4: {  	s25 =	simm.s32 $0x1B8E;
	s24 =	sld [smem:$0x3FFE];
	[sflag:s23] =	ssyncadd.s32 $0xFFFFFFFF  }
0xa5: {  	s26 =	simm.s32 $execute0_lowered;
	[smem:$0x3FD2] =	sst s25  }
0xa6: {  	s5 =	sshll.u32 s26, $0x1;
	_ =	strace $0x80000046;
	[dreg:$0x1] =	wrdreg $0xFFFFFFFF  }
0xa7: {  	s28 =	simm.s32 $_size_execute0_lowered;
	s3 =	sadd.s32 s3, s5;
	[dreg:$0x0] =	wrdreg $0x0  }
0xa8: {  	s5 =	sshll.u32 s28, $0x1;
	[dreg:$0x2] =	wrdreg s3  }
0xa9: {  	[dreg:$0x3] =	wrdreg s5  }
0xaa: {  	[dreg:$0x4] =	wrdreg $0xC0  }
0xab: {  	_ =	task [dreg:s7], $0x5FFFF  }
0xac: {  	[dreg:$0x1] =	wrdreg $0xFFFFFFFF  }
0xad: {  	[dreg:$0x0] =	wrdreg $0x60  }
0xae: {  	[dreg:$0x2] =	wrdreg s2  }
0xaf: {  	[dreg:$0x3] =	wrdreg s24  }
0xb0: {  	[dreg:$0x4] =	wrdreg $0x0  }
0xb1: {  	[dreg:$0x5] =	wrdreg $0x9  }
0xb2: {  	_ =	task.clear_ibuf [dreg:s7], $0x6FFFF;
	_ =	strace $0x90000046  }
0xb3: {  	s29 =	simm.s32 $0x9;
	_ =	strace $0x80000049  }
0xb4: {  	_ =	swait.ge [sflag:s29], $0x1  }
0xb5: {  	[sflag:s29] =	ssyncadd.s32 $0xFFFFFFFF  }
0xb6: {  	_ =	strace $0x90000049  }
0xb7: {  	_ =	sfence  }
0xb8: {  	s30 =	sld [smem:$0x0];
	_ =	sdelay $0x2  }
0xb9: {  	s31 =	sshll.u32 s1, $0xD;
	s1 =	sshrl.u32 s1, $0x2  }
0xba: {  	s3 =	sand.u32 $0x4000, s31;
	s1 =	sadd.s32 s1, s30  }
0xbb: {  	s0 =	sor.u32 s3, s0;
	s1 =	sshll.u32 s1, $0x11  }
0xbc: {  	s0 =	sor.u32 s1, s0  }
0xbd: {  	s0 =	sadd.s32 $0x8F2B, s0  }
0xbe: {  	[sflag:s0] =	ssyncadd.remote.s32 $0x1  }
0xbf: {  	_ =	sfence.sel $0xFFFF  }
0xc0: {  	[dreg:$0x0] =	wrdreg $0xFFFFFFFF;
	(pc) =	sbr.abs _section_cstart, $3  }
0xc1: {  	[dreg:$0x1] =	wrdreg $0xFFFFFFFF  }
0xc2: {  	_ =	task.clear_ibuf [dreg:s7], $0x2FFFF;
	_ =	strace $0x9FFFFFFF  }
0xc3: {  	(tm) =	ssettm $0x7FFFFFFF  }
tec
execute0_lowered:
.L_overlay_start_1:
0x0: {  	(tag) =	ssettag $0x1  }
0x1: {  	s1 =	rddreg [dreg:$0x0]  }
0x2: {  	s0 =	rddreg [dreg:$0x1]  }
0x3: {  	s3 =	rddreg [dreg:$0x2];
	s5 =	simm.s32 $0x0  }
0x4: {  	s4 =	stileid.u32;
	s2 =	srdreg.scid;
	s28 =	simm.s32 $0x14100  }
0x5: {  	s29 =	simm.s32 $0x1;
	s30 =	simm.s32 $0x80;
	s31 =	simm.s32 $0x14200  }
0x6: {  	[smem:$0x7FF] =	sst s5;
	s6 =	smul.u32 $0x14000, s4;
	s2 =	sand.u32 $0x1, s2  }
0x7: {  	s5 =	sadd.s32 $0x1A00, s0;
	s9 =	sadd.s32 $0x15800, s0;
	s11 =	smul.u32 $0x50000, s4  }
0x8: {  	s10 =	sadd.s32 $0x15400, s0;
	s15 =	sshll.u32 s4, $0x6;
	s20 =	smul.u32 $0x2710, s4  }
0x9: {  	_ =	strace $0x80000047;
	s7 =	smul.u32 $0x140000, s2;
	s13 =	sshll.u32 s2, $0x4  }
0xa: {  	s14 =	ssub.s32 $0x2, s2;
	s2 =	smul.u32 $0x27100, s2;
	s8 =	sshrl.u32 s6, $0x3  }
0xb: {  	s12 =	sshrl.u32 s14, $0x1;
	s11 =	sshrl.u32 s11, $0x2;
	s8 =	sadd.s32 s8, s0  }
0xc: {  	s6 =	sadd.s32 s6, s7;
	s7 =	sor.u32 s4, s13;
	s11 =	sadd.s32 s11, s3  }
0xd: {  	s2 =	sadd.s32 s20, s2;
	s6 =	sshrl.u32 s6, $0x3;
	s13 =	smul.u32 $0x2710, s7  }
0xe: {  	[dreg:$0x4] =	wrdreg s11;
	s8 =	sadd.s32 $0x15C00, s8;
	s17 =	smul.u32 $0x1E, s7  }
0xf: {  	s7 =	smul.u32 $0xF0, s7;
	s21 =	sadd.s32 $0x4E300, s2;
	s24 =	sadd.s32 $0x4E380, s2  }
0x10: {  	s25 =	sadd.s32 $0x180, s2;
	s2 =	sadd.s32 $0x100, s2;
	s0 =	sadd.s32 s6, s0  }
0x11: {  	s6 =	ssub.s32 s14, s12;
	[dreg:$0x5] =	wrdreg s8;
	s8 =	sor.u32 $0x1C05, s15  }
0x12: {  	s23 =	sshrl.u32 s21, $0x3;
	[dreg:$0xd] =	wrdreg s2;
	s26 =	sshrl.u32 s25, $0x3  }
0x13: {  	s25 =	simm.s32 $0x5;
	s2 =	simm.s32 $0x14180;
	s16 =	sshrl.u32 s13, $0x3  }
0x14: {  	s14 =	sadd.s32 s9, s17;
	s7 =	sshrl.u32 s7, $0x3;
	s0 =	sadd.s32 $0x3DC00, s0  }
0x15: {  	s22 =	smax.u32 s6, $0x1;
	s21 =	sadd.s32 s23, s5;
	[dreg:$0x6] =	wrdreg s8  }
0x16: {  	s6 =	simm.s32 $0x2;
	s15 =	sadd.s32 s5, s16;
	[dreg:$0xb] =	wrdreg s0  }
0x17: {  	s16 =	sadd.s32 s10, s17;
	s7 =	sadd.s32 $0xE, s7;
	[dreg:$0xc] =	wrdreg s22  }
0x18: {  	s0 =	sshrl.u32 s24, $0x3;
	s24 =	sadd.s32 s26, s5;
	s26 =	simm.s32 $0x14000  }
0x19: {  	s11 =	sadd.s32 $0x9C40, s15;
	s18 =	sadd.s32 $0x10, s15;
	s19 =	sadd.s32 $0x9C50, s15  }
.Ltmp0:
0x1a: {  	s13 =	sadd.s32 $0x4E0, s15;
	[dreg:$0x7] =	wrdreg s15;
	(pc) =	sbr.rel .LBB2_1-.Ltmp0, $4  }
0x1b: {  	s15 =	sadd.s32 $0xA120, s15;
	s17 =	sadd.s32 s9, s7;
	[dreg:$0x8] =	wrdreg s11  }
0x1c: {  	s23 =	sadd.s32 s0, s5;
	s0 =	simm.s32 $0x14080;
	[dreg:$0x9] =	wrdreg s18  }
0x1d: {  	s9 =	simm.s32 $0x0;
	[dreg:$0xa] =	wrdreg s19;
	s18 =	sadd.s32 s10, s7  }
0x1e: {  	s7 =	simm.s32 $0x18200;
	s10 =	simm.s32 $0x3;
	s11 =	simm.s32 $0x4  }
.LBB2_6:
0x1f: {  	_ =	swait.ge [sflag:s11], $0x4000  }
0x20: {  	[sflag:s11] =	ssyncset.done $0x0  }
0x21: {  	[sflag:s11] =	ssyncadd.s32 $0xFFFFC000  }
0x22: {  	[spmem:s3] =	stream.indirect.scatter.add.f32 [tilespmem:s7], [sflag:$0x5], $0x80, s2, s30, $0x2000b8;
	[tilespmem:$0x1C200] =	vst v63  }
0x23: {  	_ =	swait.ge [sflag:s25], $0x4000  }
0x24: {  	[sflag:s25] =	ssyncset.done $0x0  }
0x25: {  	[sflag:s25] =	ssyncadd.s32 $0xFFFFC000  }
.LBB2_4:
0x26: {  	_ =	strace $0x90000048  }
0x27: {  	[bflag:$0x0] =	sbarrier.arrive $0xFFFF  }
0x28: {  	s8 =	rddreg [dreg:$0x6]  }
0x29: {  	s4 =	rddreg [dreg:$0xb]  }
0x2a: {  	s9 =	rddreg [dreg:$0xf]  }
0x2b: {  	[hbm:s4], [sflag:s8] =	dma.local [spmem:s9], $0x2800  }
0x2c: {  	_ =	swait.ge [sflag:s25], $0x2800  }
0x2d: {  	s20 =	rddreg [dreg:$0xe]  }
0x2e: {  	s22 =	rddreg [dreg:$0xc];
	s9 =	sadd.s32 $0x1, s20  }
0x2f: {  	p0 =	sne.s32 s9, s22  }
.Ltmp1:
0x30: {  	_ = 	snop;
	(pc) =	sbr.rel @!p0 .LBB2_5-.Ltmp1, $3  }
0x31: {  	_ =	sdelay $0x1  }
0x32: {  	[sflag:s25] =	ssyncset.done $0x0  }
0x33: {  	[sflag:s25] =	ssyncadd.s32 $0xFFFFD800  }
.LBB2_1:
0x34: {  	[dreg:$0xe] =	wrdreg s9  }
0x35: {  	s4 =	rddreg [dreg:$0x4]  }
0x36: {  	s22 =	rddreg [dreg:$0x5];
	s20 =	sshrl.u32 s4, $0x3  }
0x37: {  	[dreg:$0xf] =	wrdreg s20  }
0x38: {  	[spmem:s20], [sflag:s8] =	dma.local [hbm:s22], $0x2800  }
0x39: {  	_ =	swait.ge [sflag:s25], $0x2800  }
0x3a: {  	[sflag:s25] =	ssyncset.done $0x0  }
0x3b: {  	[sflag:s25] =	ssyncadd.s32 $0xFFFFD800  }
0x3c: {  	[bflag:$0x0] =	sbarrier.arrive $0xFFFF  }
0x3d: {  	s9 =	simm.s32 $0x0;
	s12 =	rddreg [dreg:$0x7]  }
0x3e: {  	[tilespmem:s26], [sflag:$0x1] =	stream.linear.gather [hbm4b:s12+s9], $0x80, $0x38;
	[tilespmem:$0x1C200] =	vst v63  }
0x3f: {  	s19 =	rddreg [dreg:$0x8]  }
0x40: {  	[tilespmem:s28], [sflag:$0x1] =	stream.linear.gather [hbm4b:s19+s9], $0x80, $0x38;
	[tilespmem:$0x1C200] =	vst v63  }
0x41: {  	_ =	swait.ge [sflag:s29], $0x80  }
0x42: {  	[sflag:s29] =	ssyncset.done $0x0  }
0x43: {  	[sflag:s29] =	ssyncadd.s32 $0xFFFFFF80  }
0x44: {  	_ =	swait.ge [sflag:s29], $0x80  }
0x45: {  	[sflag:s29] =	ssyncset.done $0x0  }
0x46: {  	[sflag:s29] =	ssyncadd.s32 $0xFFFFFF80  }
0x47: {  	[tilespmem:s31], [sflag:$0x3] =	stream.indirect.gather [hbm4b:s1+s30], $0x80, s26, s30, $0xb8;
	[tilespmem:$0x1C200] =	vst v63  }
0x48: {  	s20 =	rddreg [dreg:$0x9]  }
0x49: {  	[tilespmem:s0], [sflag:$0x2] =	stream.linear.gather [hbm4b:s20+s9], $0x80, $0x38;
	[tilespmem:$0x1C200] =	vst v63  }
0x4a: {  	s22 =	rddreg [dreg:$0xa]  }
0x4b: {  	[tilespmem:s2], [sflag:$0x2] =	stream.linear.gather [hbm4b:s22+s9], $0x80, $0x38;
	[tilespmem:$0x1C200] =	vst v63  }
0x4c: {  	_ =	strace $0x80000048  }
0x4d: {  	s20 =	simm.s32 $0x0;
	s9 =	simm.s32 $0x0;
	s22 =	rddreg [dreg:$0xd]  }
.LBB2_2:
0x4e: {  	_ =	swait.ge [sflag:s6], $0x80  }
0x4f: {  	[sflag:s6] =	ssyncset.done $0x0  }
0x50: {  	[sflag:s6] =	ssyncadd.s32 $0xFFFFFF80  }
0x51: {  	_ =	swait.ge [sflag:s6], $0x80  }
0x52: {  	[sflag:s6] =	ssyncset.done $0x0  }
0x53: {  	[sflag:s6] =	ssyncadd.s32 $0xFFFFFF80  }
0x54: {  	[tilespmem:s7], [sflag:$0x4] =	stream.indirect.gather [hbm4b:s1+s30], $0x80, s0, s30, $0x2000b8;
	[tilespmem:$0x1C200] =	vst v63  }
0x55: {  	_ =	swait.ge [sflag:s10], $0x4000  }
0x56: {  	p0 =	seq.s32 s9, $0x4E0;
	[sflag:s10] =	ssyncset.done $0x0  }
.Ltmp2:
0x57: {  	[sflag:s10] =	ssyncadd.s32 $0xFFFFC000;
	(pc) =	sbr.rel @p0 .LBB2_6-.Ltmp2, $4  }
0x58: {  	[spmem:s3] =	stream.indirect.scatter.add.f32 [tilespmem:s31], [sflag:$0x5], $0x80, s28, s30, $0x2000b8;
	[tilespmem:$0x1C200] =	vst v63  }
0x59: {  	_ =	swait.ge [sflag:s25], $0x4000  }
0x5a: {  	[sflag:s25] =	ssyncset.done $0x0  }
0x5b: {  	[sflag:s25] =	ssyncadd.s32 $0xFFFFC000  }
0x5c: {  	p0 =	sgt.u32 s20, $0x25  }
0x5d: {  	p1 =	sne.s32 s9, $0x4C0;
	s4 =	sshrl.u32 @!p0 s22, $0x3  }
0x5e: {  	s8 =	simm.s32 @!p0 $0x0;
	s19 =	simm.s32 @!p0 $0x14000;
	s4 =	sadd.s32 @!p0 s5, s4  }
0x5f: {  	[tilespmem:s19], [sflag:$0x1] =	stream.linear.gather @!p0 [hbm4b:s4+s8], $0x80, $0x200038;
	[tilespmem:$0x1C200] =	vst v63  }
0x60: {  	s4 =	simm.s32 @!p1 $0x0;
	s19 =	simm.s32 @!p1 $0x14000  }
0x61: {  	[tilespmem:s19], [sflag:$0x1] =	stream.linear.gather @!p1 [hbm4b:s13+s4], $0x10, $0x200038;
	[tilespmem:$0x1C200] =	vst v63  }
0x62: {  	s19 =	simm.s32 @!p1 $0x14010  }
0x63: {  	[tilespmem:s19], [sflag:$0x1] =	stream.linear.gather @!p1 [hbm4b:s14+s4], $0x70, $0x200038;
	[tilespmem:$0x1C200] =	vst v63  }
0x64: {  	s12 =	simm.s32 @!p0 $0x14100;
	s19 =	sadd.s32 @!p0 s9, s21  }
0x65: {  	[tilespmem:s12], [sflag:$0x1] =	stream.linear.gather @!p0 [hbm4b:s19+s8], $0x80, $0x200038;
	[tilespmem:$0x1C200] =	vst v63  }
0x66: {  	s12 =	simm.s32 @!p1 $0x14100  }
0x67: {  	[tilespmem:s12], [sflag:$0x1] =	stream.linear.gather @!p1 [hbm4b:s15+s4], $0x10, $0x200038;
	[tilespmem:$0x1C200] =	vst v63  }
0x68: {  	s12 =	simm.s32 @!p1 $0x14110  }
0x69: {  	[tilespmem:s12], [sflag:$0x1] =	stream.linear.gather @!p1 [hbm4b:s16+s4], $0x70, $0x200038;
	[tilespmem:$0x1C200] =	vst v63  }
0x6a: {  	_ =	swait.ge [sflag:s29], $0x80  }
0x6b: {  	[sflag:s29] =	ssyncset.done $0x0  }
0x6c: {  	[sflag:s29] =	ssyncadd.s32 $0xFFFFFF80  }
0x6d: {  	_ =	swait.ge [sflag:s29], $0x80  }
0x6e: {  	[sflag:s29] =	ssyncset.done $0x0  }
0x6f: {  	[sflag:s29] =	ssyncadd.s32 $0xFFFFFF80  }
0x70: {  	[tilespmem:s31], [sflag:$0x3] =	stream.indirect.gather [hbm4b:s1+s30], $0x80, s26, s30, $0x2000b8;
	[tilespmem:$0x1C200] =	vst v63  }
0x71: {  	_ =	swait.ge [sflag:s11], $0x4000  }
0x72: {  	[sflag:s11] =	ssyncset.done $0x0  }
0x73: {  	[sflag:s11] =	ssyncadd.s32 $0xFFFFC000  }
0x74: {  	[spmem:s3] =	stream.indirect.scatter.add.f32 [tilespmem:s7], [sflag:$0x5], $0x80, s2, s30, $0x2000b8;
	[tilespmem:$0x1C200] =	vst v63  }
0x75: {  	_ =	swait.ge [sflag:s25], $0x4000  }
0x76: {  	[sflag:s25] =	ssyncset.done $0x0  }
0x77: {  	s19 =	simm.s32 @!p0 $0x14080;
	s12 =	sadd.s32 @!p0 s9, s24;
	[sflag:s25] =	ssyncadd.s32 $0xFFFFC000  }
0x78: {  	[tilespmem:s19], [sflag:$0x2] =	stream.linear.gather @!p0 [hbm4b:s12+s8], $0x80, $0x200038;
	[tilespmem:$0x1C200] =	vst v63  }
0x79: {  	s12 =	simm.s32 @!p1 $0x14080  }
0x7a: {  	[tilespmem:s12], [sflag:$0x2] =	stream.linear.gather @!p1 [hbm4b:s17+s4], $0x80, $0x200038;
	[tilespmem:$0x1C200] =	vst v63  }
0x7b: {  	s19 =	simm.s32 @!p0 $0x14180;
	s12 =	sadd.s32 @!p0 s9, s23;
	s9 =	sadd.s32 $0x20, s9  }
0x7c: {  	[tilespmem:s19], [sflag:$0x2] =	stream.linear.gather @!p0 [hbm4b:s12+s8], $0x80, $0x200038;
	[tilespmem:$0x1C200] =	vst v63  }
0x7d: {  	p0 =	sne.s32 s9, $0x500  }
.Ltmp3:
0x7e: {  	_ = 	snop;
	(pc) =	sbr.rel @p0 .LBB2_2-.Ltmp3, $4  }
.Ltmp4:
0x7f: {  	_ = 	snop;
	(pc) =	sbr.rel @!p0 .LBB2_4-.Ltmp4, $4  }
0x80: {  	_ = 	snop  }
0x81: {  	s20 =	sadd.s32 $0x1, s20;
	s22 =	sadd.s32 $0x100, s22;
	s8 =	simm.s32 @!p1 $0x14180  }
0x82: {  	[tilespmem:s8], [sflag:$0x2] =	stream.linear.gather @!p1 [hbm4b:s18+s4], $0x80, $0x200038;
	[tilespmem:$0x1C200] =	vst v63  }
0x83: {  	_ = 	snop  }
.LBB2_5:
0x84: {  	_ =	sfence.sel $0x180000  }
0x85: {  	[bflag:$0x0] =	sbarrier.arrive $0xFFFF  }
0x86: {  	_ =	strace $0x90000047  }
0x87: {  	s0 =	stileid.u32;
	[bflag:$0x2] =	sbarrier.arrive $0xFFFF  }
0x88: {  	p0 =	sne.s32 s0, $0x0;
	s0 =	rddreg [dreg:$0x3]  }
0x89: {  	s0 =	sadd.s32 @!p0 $0x100000, s0  }
0x8a: {  	[sflag:s0] =	ssyncadd.tile.s32 @!p0 $0x1;
	_ =	shalt  }
.Lfunc_end2:
_tile_overlayer_lowered:
.L_overlay_start_2:
0x8b: {  	(tag) =	ssettag $0x2  }
0x8c: {  	s0 =	rddreg [dreg:$0x0];
	s2 =	stileid.u32  }
0x8d: {  	s1 =	rddreg [dreg:$0x1];
	p0 =	sne.s32 s2, $0x0  }
0x8e: {  	s3 =	rddreg [dreg:$0x2];
	[bflag:$0x3] =	sbarrier.arrive $0xFFFF;
	s2 =	simm.s32 @!p0 $0x1C05  }
0x8f: {  	[timem:s3], [sflag:s2] =	dma.local @!p0 [hbm:s0], s1  }
0x90: {  	s0 =	simm.s32 @!p0 $0x5  }
0x91: {  	_ =	swait.ge @!p0 [sflag:s0], s1  }
0x92: {  	s1 =	ssub.s32 @!p0 $0x0, s1;
	[sflag:s0] =	ssyncset.done @!p0 $0x0  }
0x93: {  	[sflag:s0] =	ssyncadd.s32 @!p0 s1  }
0x94: {  	[bflag:$0x3] =	sbarrier.arrive $0xFFFF  }
0x95: {  	_ =	shalt  }

// kernel: kernel.9.cloned.1.call-start
scs
__scs_entry_jumppad:
0x0: {  	(pc) =	sbr.rel $0x88, $3  }
0x1: {  	(tag) =	ssettag $0x0;
	lr =	simm.s32 $0x1  }
0x2: {  	[smem:$0x3F98] =	sst lr;
	_ =	strace $0xD0000000  }
0x3: {  	_ = 	snop  }
0x4: {  	_ = 	snop  }
0x5: {  	_ = 	snop  }
0x6: {  	_ = 	snop  }
0x7: {  	_ = 	snop  }
__scs_overlays_trampoline_lowered:
0x8: {  	[smem:$0x3FA7] =	sst s0  }
0x9: {  	[smem:$0x3FA8] =	sst s1  }
0xa: {  	[smem:$0x3FA9] =	sst s2  }
0xb: {  	[smem:$0x3FAA] =	sst s3  }
0xc: {  	[smem:$0x3FAB] =	sst s4  }
0xd: {  	[smem:$0x3FAC] =	sst s5  }
0xe: {  	[smem:$0x3FAD] =	sst s6  }
0xf: {  	[smem:$0x3FAE] =	sst s7  }
0x10: {  	[smem:$0x3FAF] =	sst s8  }
0x11: {  	[smem:$0x3FB0] =	sst s9;
	s0 =	simm.s32 @!p0 $0x0  }
0x12: {  	s1 =	sld [smem:$0x3F96];
	s0 =	simm.s32 @p0 $0x1  }
0x13: {  	[smem:$0x3FB1] =	sst s0;
	s0 =	simm.s32 @!p1 $0x0  }
0x14: {  	s2 =	sld [smem:$0x3F95];
	s0 =	simm.s32 @p1 $0x1  }
0x15: {  	[smem:$0x3FB2] =	sst s0;
	s0 =	simm.s32 @!p2 $0x0  }
0x16: {  	s3 =	sld [smem:$0x3FDB];
	s0 =	simm.s32 @p2 $0x1  }
0x17: {  	s4 =	simm.s32 $0x1BF5;
	[smem:$0x3FB4] =	sst s0  }
0x18: {  	s0 =	sld [smem:$0x3F97];
	_ =	swait.ge [sflag:s4], $0x0  }
0x19: {  	s7 =	sld [smem:$0x3F98]  }
0x1a: {  	s8 =	sadd.s32 $0xFFFFE003, lr  }
0x1b: {  	s9 =	sadd.s32 $0xFFFFFEF7, lr;
	s5 =	simm.s32 $0xFFFFFFFF;
	p2 =	slt.u32 s8, $0xFFFFF086  }
0x1c: {  	p1 =	slt.u32 s9, $0xF7A;
	s5 =	simm.s32 @!p2 $0x0  }
0x1d: {  	s5 =	simm.s32 @p1 $0x1;
	p0 =	seq.s32 s7, s2  }
0x1e: {  	s7 =	smul.u32 @!p0 $0xF7A, s2;
	p2 =	seq.s32 @!p0 s5, $0x0  }
0x1f: {  	s9 =	smul.u32 $0xF7A, s1;
	s8 =	simm.s32 @!p0 $0x1BF5;
	p2 =	por !p2, p0  }
0x20: {  	[sflag:s8] =	ssyncset.s32 @!p0 $0xFFFFF086;
	s6 =	sadd.s32 @!p0 s3, s7;
	s7 =	simm.s32 @!p0 $0x108  }
0x21: {  	s3 =	sadd.s32 s3, s9;
	s6 =	sadd.s32 @!p0 $0x88, s6;
	s7 =	simm.s32 @p2 $0x1082  }
0x22: {  	[simem:s7], [sflag:s8] =	dma.local @!p0 [hbm:s6], $0xF7A  }
0x23: {  	s9 =	sor.u32 $0xD0000000, s2;
	s6 =	simm.s32 $0x108;
	_ =	swait.ge @!p0 [sflag:s8], $0x0  }
0x24: {  	s3 =	sadd.s32 $0x88, s3;
	s6 =	simm.s32 @!p1 $0x1082;
	[sflag:s4] =	ssyncset.s32 $0xFFFFF086  }
0x25: {  	[simem:s6], [sflag:s4] =	dma.local [hbm:s3], $0xF7A  }
0x26: {  	[smem:$0x3F98] =	sst s1;
	(tag) =	ssettag s2;
	_ =	strace s9  }
0x27: {  	s1 =	sld [smem:$0x3FA8]  }
0x28: {  	s2 =	sld [smem:$0x3FA9]  }
0x29: {  	s4 =	sld [smem:$0x3FAB]  }
0x2a: {  	p0 =	seq.s32 s5, $0x0;
	s5 =	sld [smem:$0x3FAC]  }
0x2b: {  	s6 =	sld [smem:$0x3FAD]  }
0x2c: {  	s7 =	sld [smem:$0x3FAE]  }
0x2d: {  	s3 =	simm.s32 $0x108;
	s8 =	sld [smem:$0x3FAF]  }
0x2e: {  	s3 =	simm.s32 @!p0 $0x1082;
	s9 =	sld [smem:$0x3FB0]  }
0x2f: {  	lr =	sadd.s32 s0, s3;
	s0 =	sld [smem:$0x3FA7]  }
0x30: {  	s3 =	sld [smem:$0x3FAA]  }
0x31: {  	[smem:$0x3FB3] =	sst s10  }
0x32: {  	s10 =	sld [smem:$0x3FB1];
	_ =	sdelay $0x3  }
0x33: {  	p0 =	seq.s32 s10, $0x1;
	s10 =	sld [smem:$0x3FB3];
	_ =	sdelay $0x3  }
0x34: {  	[smem:$0x3FB3] =	sst s10  }
0x35: {  	s10 =	sld [smem:$0x3FB2];
	_ =	sdelay $0x3  }
0x36: {  	p1 =	seq.s32 s10, $0x1;
	s10 =	sld [smem:$0x3FB3];
	_ =	sdelay $0x3  }
0x37: {  	[smem:$0x3FB3] =	sst s10  }
0x38: {  	s10 =	sld [smem:$0x3FB4]  }
0x39: {  	_ = 	snop;
	(pc) =	sbr.ind lr, $3  }
0x3a: {  	_ = 	snop  }
0x3b: {  	_ = 	snop  }
0x3c: {  	p2 =	seq.s32 s10, $0x1;
	s10 =	sld [smem:$0x3FB3]  }
0x3d: {  	_ =	shalt  }
0x3e: {  	_ =	shalt  }
0x3f: {  	_ =	shalt  }
0x40: {  	_ =	shalt  }
0x41: {  	_ =	shalt  }
0x42: {  	_ =	shalt  }
0x43: {  	_ =	shalt  }
0x44: {  	_ =	shalt  }
0x45: {  	_ =	shalt  }
0x46: {  	_ =	shalt  }
0x47: {  	_ =	shalt  }
0x48: {  	_ =	shalt  }
0x49: {  	_ =	shalt  }
0x4a: {  	_ =	shalt  }
0x4b: {  	_ =	shalt  }
0x4c: {  	_ =	shalt  }
0x4d: {  	_ =	shalt  }
0x4e: {  	_ =	shalt  }
0x4f: {  	_ =	shalt  }
0x50: {  	_ =	shalt  }
0x51: {  	_ =	shalt  }
0x52: {  	_ =	shalt  }
0x53: {  	_ =	shalt  }
0x54: {  	_ =	shalt  }
0x55: {  	_ =	shalt  }
0x56: {  	_ =	shalt  }
0x57: {  	_ =	shalt  }
0x58: {  	_ =	shalt  }
0x59: {  	_ =	shalt  }
0x5a: {  	_ =	shalt  }
0x5b: {  	_ =	shalt  }
0x5c: {  	_ =	shalt  }
0x5d: {  	_ =	shalt  }
0x5e: {  	_ =	shalt  }
0x5f: {  	_ =	shalt  }
0x60: {  	_ =	shalt  }
0x61: {  	_ =	shalt  }
0x62: {  	_ =	shalt  }
0x63: {  	_ =	shalt  }
0x64: {  	_ =	shalt  }
0x65: {  	_ =	shalt  }
0x66: {  	_ =	shalt  }
0x67: {  	_ =	shalt  }
0x68: {  	_ =	shalt  }
0x69: {  	_ =	shalt  }
0x6a: {  	_ =	shalt  }
0x6b: {  	_ =	shalt  }
0x6c: {  	_ =	shalt  }
0x6d: {  	_ =	shalt  }
0x6e: {  	_ =	shalt  }
0x6f: {  	_ =	shalt  }
0x70: {  	_ =	shalt  }
0x71: {  	_ =	shalt  }
0x72: {  	_ =	shalt  }
0x73: {  	_ =	shalt  }
0x74: {  	_ =	shalt  }
0x75: {  	_ =	shalt  }
0x76: {  	_ =	shalt  }
0x77: {  	_ =	shalt  }
0x78: {  	_ =	shalt  }
0x79: {  	_ =	shalt  }
0x7a: {  	_ =	shalt  }
0x7b: {  	_ =	shalt  }
0x7c: {  	_ =	shalt  }
0x7d: {  	_ =	shalt  }
0x7e: {  	_ =	shalt  }
0x7f: {  	_ =	shalt  }
0x80: {  	_ =	shalt  }
0x81: {  	_ =	shalt  }
0x82: {  	_ =	shalt  }
0x83: {  	_ =	shalt  }
0x84: {  	_ =	shalt  }
0x85: {  	_ =	shalt  }
0x86: {  	_ =	shalt  }
0x87: {  	_ =	shalt  }
.Lfunc_end0:
.L_simem_size_0:
called_computation.1_lowered:
.L_overlay_start_0:
0x88: {  	s2 =	sld [smem:$0x3FD9]  }
0x89: {  	s3 =	sld [smem:$0x3FFE];
	_ =	sdelay $0x1  }
0x8a: {  	s1 =	srdreg.scid  }
0x8b: {  	s0 =	sand.u32 $0x1, s1  }
0x8c: {  	s17 =	sshll.u32 s0, $0xA;
	s2 =	sadd.s32 s3, s2  }
0x8d: {  	s2 =	sadd.s32 s2, s17  }
0x8e: {  	[smem:$0x3FBF] =	sst s2  }
0x8f: {  	_ = 	snop  }
0x90: {  	(tm) =	ssettm $0x1  }
0x91: {  	s18 =	sld [smem:$0x3FFB];
	_ =	sdelay $0x3  }
0x92: {  	_ =	strace s18  }
0x93: {  	s2 =	sld [smem:$0x3FFC];
	_ =	sdelay $0x3  }
0x94: {  	_ =	strace s2  }
0x95: {  	s2 =	sld [smem:$0x3FFD];
	_ =	sdelay $0x3  }
0x96: {  	_ =	strace s2  }
0x97: {  	_ =	strace $0x8FFFFFFF  }
0x98: {  	s19 =	sld [smem:$0x3FDB];
	_ =	sdelay $0x1  }
0x99: {  	s20 =	simm.s32 $_scs_section_size  }
0x9a: {  	s4 =	simm.s32 $_size__tile_overlayer_lowered;
	s5 =	simm.s32 $_tile_overlayer_lowered  }
0x9b: {  	s6 =	simm.s32 $0x1BFF;
	s21 =	sshll.u32 s5, $0x1;
	s3 =	sadd.s32 s20, s19  }
0x9c: {  	s22 =	simm.s32 $0x0;
	s4 =	sshll.u32 s4, $0x1;
	s5 =	sadd.s32 s21, s3  }
0x9d: {  	[timem:s22], [sflag:s6] =	dma.local [hbm:s5], s4  }
0x9e: {  	_ =	swait.ge [sflag:s6], s4  }
0x9f: {  	s4 =	ssub.s32 $0x0, s4;
	[sflag:s6] =	ssyncset.done $0x0  }
0xa0: {  	[sflag:s6] =	ssyncadd.s32 s4;
	_ =	sdelay $0x1  }
0xa1: {  	s23 =	simm.s32 $0x1B8B  }
0xa2: {  	_ =	swait.ge [sflag:s23], $0x1  }
0xa3: {  	[sflag:s23] =	ssyncset.done $0x0  }
0xa4: {  	[sflag:s23] =	ssyncadd.s32 $0xFFFFFFFF  }
0xa5: {  	s4 =	sld [smem:$0x0]  }
0xa6: {  	s5 =	sand.u32 $0xFFFFFFFE, s1  }
0xa7: {  	p0 =	sne.s32 s1, s5  }
0xa8: {  	s5 =	sshll.u32 @p0 s5, $0xE  }
0xa9: {  	s5 =	sadd.s32 @p0 $0x11B8D, s5;
	s6 =	sshll.u32 @p0 s4, $0x11  }
0xaa: {  	s5 =	sor.u32 @p0 s6, s5  }
0xab: {  	[sflag:s5] =	ssyncadd.remote.s32 @p0 $0x1;
	_ =	sdelay $0x1  }
0xac: {  	s5 =	simm.s32 @p0 $0x1B8D  }
0xad: {  	_ =	swait.eq @p0 [sflag:s5], $0x1  }
0xae: {  	[sflag:s5] =	ssyncadd.s32 @p0 $0xFFFFFFFF  }
0xaf: {  	s6 =	sshll.u32 @!p0 s1, $0xE  }
0xb0: {  	s6 =	sor.u32 @!p0 $0x4000, s6;
	s5 =	simm.s32 @!p0 $0x1B8D  }
0xb1: {  	s4 =	sshll.u32 @!p0 s4, $0x11;
	s6 =	sadd.s32 @!p0 $0x11B8D, s6;
	_ =	swait.eq @!p0 [sflag:s5], $0x1  }
0xb2: {  	s4 =	sor.u32 @!p0 s4, s6;
	[sflag:s5] =	ssyncadd.s32 @!p0 $0xFFFFFFFF  }
0xb3: {  	s25 =	simm.s32 $0x1B8E;
	s24 =	sld [smem:$0x3FFE];
	[sflag:s4] =	ssyncadd.remote.s32 @!p0 $0x1  }
0xb4: {  	s26 =	simm.s32 $execute0_lowered;
	[smem:$0x3FD2] =	sst s25  }
0xb5: {  	s5 =	sshll.u32 s26, $0x1;
	_ =	strace $0x8000004A;
	[dreg:$0x1] =	wrdreg $0xFFFFFFFF  }
0xb6: {  	s28 =	simm.s32 $_size_execute0_lowered;
	s3 =	sadd.s32 s3, s5;
	[dreg:$0x0] =	wrdreg $0x0  }
0xb7: {  	s5 =	sshll.u32 s28, $0x1;
	[dreg:$0x2] =	wrdreg s3  }
0xb8: {  	[dreg:$0x3] =	wrdreg s5  }
0xb9: {  	[dreg:$0x4] =	wrdreg $0xC0  }
0xba: {  	_ =	task [dreg:s22], $0x5FFFF  }
0xbb: {  	[dreg:$0x1] =	wrdreg $0xFFFFFFFF  }
0xbc: {  	[dreg:$0x0] =	wrdreg $0x60  }
0xbd: {  	[dreg:$0x2] =	wrdreg s24  }
0xbe: {  	[dreg:$0x3] =	wrdreg $0x0  }
0xbf: {  	[dreg:$0x4] =	wrdreg $0xA  }
0xc0: {  	_ =	task.clear_ibuf [dreg:s22], $0x5FFFF;
	_ =	strace $0x9000004A  }
0xc1: {  	s29 =	simm.s32 $0xA;
	_ =	strace $0x8000004D  }
0xc2: {  	_ =	swait.ge [sflag:s29], $0x1  }
0xc3: {  	[sflag:s29] =	ssyncadd.s32 $0xFFFFFFFF  }
0xc4: {  	_ =	strace $0x9000004D  }
0xc5: {  	_ =	sfence  }
0xc6: {  	s30 =	sld [smem:$0x0];
	_ =	sdelay $0x2  }
0xc7: {  	s31 =	sshll.u32 s1, $0xD;
	s1 =	sshrl.u32 s1, $0x2  }
0xc8: {  	s4 =	sand.u32 $0x4000, s31;
	s1 =	sadd.s32 s1, s30  }
0xc9: {  	s0 =	sor.u32 s4, s0;
	s1 =	sshll.u32 s1, $0x11  }
0xca: {  	s0 =	sor.u32 s1, s0  }
0xcb: {  	s0 =	sadd.s32 $0x8F2B, s0  }
0xcc: {  	[sflag:s0] =	ssyncadd.remote.s32 $0x1  }
0xcd: {  	_ =	sfence.sel $0xFFFF  }
0xce: {  	[dreg:$0x0] =	wrdreg $0xFFFFFFFF;
	(pc) =	sbr.abs _section_cstart, $3  }
0xcf: {  	[dreg:$0x1] =	wrdreg $0xFFFFFFFF  }
0xd0: {  	_ =	task.clear_ibuf [dreg:s22], $0x2FFFF;
	_ =	strace $0x9FFFFFFF  }
0xd1: {  	(tm) =	ssettm $0x7FFFFFFF  }
tec
execute0_lowered:
.L_overlay_start_1:
0x0: {  	(tag) =	ssettag $0x1  }
0x1: {  	s5 =	rddreg [dreg:$0x0]  }
0x2: {  	s2 =	rddreg [dreg:$0x1]  }
0x3: {  	s0 =	rddreg [dreg:$0x2];
	s1 =	stileid.u32  }
0x4: {  	s4 =	srdreg.scid;
	s6 =	smul.u32 $0x14000, s1  }
0x5: {  	s3 =	simm.s32 $0x0;
	s7 =	sand.u32 $0x1, s4;
	s12 =	smul.u32 $0x50000, s1  }
0x6: {  	[smem:$0x7FF] =	sst s3;
	s15 =	sadd.s32 $0x1A00, s5;
	s18 =	smul.u32 $0x2710, s1  }
0x7: {  	s10 =	sadd.s32 $0x15400, s5;
	s22 =	sshll.u32 s1, $0x6;
	s4 =	smul.u32 $0x140000, s7  }
0x8: {  	_ =	strace $0x8000004B;
	s9 =	ssub.s32 $0x2, s7;
	s11 =	sshll.u32 s7, $0x4  }
0x9: {  	s26 =	smul.u32 $0x27100, s7;
	s8 =	sshrl.u32 s6, $0x3;
	s19 =	sshrl.u32 s9, $0x1  }
0xa: {  	s11 =	sor.u32 s1, s11;
	s20 =	sshrl.u32 s12, $0x2;
	s6 =	sadd.s32 s6, s4  }
0xb: {  	s8 =	sadd.s32 s8, s5;
	s4 =	sadd.s32 $0x8DC00, s5;
	s21 =	smul.u32 $0x2710, s11  }
0xc: {  	s14 =	ssub.s32 s9, s19;
	s16 =	sadd.s32 s20, s2;
	s23 =	smul.u32 $0xF0, s11  }
0xd: {  	s11 =	smul.u32 $0x1E, s11;
	s29 =	sadd.s32 s18, s26;
	s19 =	simm.s32 $0x14000  }
0xe: {  	s20 =	simm.s32 $0x14080;
	s6 =	sshrl.u32 s6, $0x3;
	s12 =	smax.u32 s14, $0x1  }
0xf: {  	s30 =	sadd.s32 $0x4E300, s29;
	s18 =	sadd.s32 $0x4E280, s29;
	s16 =	sshrl.u32 s16, $0x3  }
0x10: {  	s13 =	sadd.s32 s6, s5;
	s5 =	sadd.s32 $0x15C00, s8;
	s6 =	sor.u32 $0x1C03, s22  }
0x11: {  	s24 =	sshrl.u32 s21, $0x3;
	s25 =	sshrl.u32 s23, $0x3;
	s14 =	sshrl.u32 s30, $0x3  }
0x12: {  	s31 =	sshrl.u32 s18, $0x3;
	s18 =	simm.s32 $0x14100;
	s21 =	simm.s32 $0x1  }
0x13: {  	s22 =	simm.s32 $0x80;
	s23 =	simm.s32 $0x2;
	s17 =	sadd.s32 s15, s24  }
0x14: {  	s28 =	sadd.s32 s10, s25;
	s10 =	sadd.s32 s10, s11;
	s11 =	sadd.s32 $0x8E400, s13  }
0x15: {  	s14 =	sadd.s32 s14, s15;
	s15 =	sadd.s32 s31, s15;
	s24 =	simm.s32 $0x14010  }
0x16: {  	s25 =	simm.s32 $0x0;
	s7 =	sadd.s32 $0x9C40, s17;
	s8 =	sadd.s32 $0xE, s28  }
0x17: {  	s9 =	sadd.s32 $0xA120, s17;
	s13 =	sadd.s32 $0xA110, s17;
	s17 =	simm.s32 $0x3  }
.LBB2_1:
0x18: {  	[spmem:s16], [sflag:s6] =	dma.local [hbm:s5], $0x2800  }
0x19: {  	_ =	swait.ge [sflag:s17], $0x2800  }
0x1a: {  	[sflag:s17] =	ssyncset.done $0x0  }
0x1b: {  	[sflag:s17] =	ssyncadd.s32 $0xFFFFD800  }
0x1c: {  	[tilespmem:s18], [sflag:$0x3] =	stream.linear.gather [hbm4b:s4+s3], $0x4000, $0x38;
	[tilespmem:$0x18100] =	vst v63  }
0x1d: {  	_ =	swait.ge [sflag:s17], $0x4000  }
0x1e: {  	[sflag:s17] =	ssyncset.done $0x0  }
0x1f: {  	[sflag:s17] =	ssyncadd.s32 $0xFFFFC000  }
0x20: {  	[bflag:$0x0] =	sbarrier.arrive $0xFFFF  }
0x21: {  	[tilespmem:s19], [sflag:$0x1] =	stream.linear.gather [hbm4b:s7+s3], $0x80, $0x38;
	[tilespmem:$0x18100] =	vst v63  }
0x22: {  	s26 =	sadd.s32 $0x0, s15;
	_ =	strace $0x8000004C  }
0x23: {  	[tilespmem:s20], [sflag:$0x2] =	stream.linear.gather [hbm4b:s26+s3], $0x80, $0x200038;
	[tilespmem:$0x18100] =	vst v63  }
0x24: {  	_ =	swait.ge [sflag:s21], $0x80  }
0x25: {  	[sflag:s21] =	ssyncset.done $0x0  }
0x26: {  	[sflag:s21] =	ssyncadd.s32 $0xFFFFFF80  }
0x27: {  	[spmem:s2] =	stream.indirect.scatter.add.f32 [tilespmem:s18], [sflag:$0x3], $0x80, s19, s22, $0x2000b8;
	[tilespmem:$0x18100] =	vst v63  }
0x28: {  	_ =	swait.ge [sflag:s17], $0x4000  }
0x29: {  	[sflag:s17] =	ssyncset.done $0x0  }
0x2a: {  	s31 =	sadd.s32 $0x0, s14;
	[sflag:s17] =	ssyncadd.s32 $0xFFFFC000  }
0x2b: {  	[tilespmem:s19], [sflag:$0x1] =	stream.linear.gather [hbm4b:s31+s3], $0x80, $0x200038;
	[tilespmem:$0x18100] =	vst v63  }
0x2c: {  	_ =	swait.ge [sflag:s23], $0x80  }
0x2d: {  	[sflag:s23] =	ssyncset.done $0x0  }
0x2e: {  	[sflag:s23] =	ssyncadd.s32 $0xFFFFFF80  }
0x2f: {  	[spmem:s2] =	stream.indirect.scatter.add.f32 [tilespmem:s18], [sflag:$0x3], $0x80, s20, s22, $0x2000b8;
	[tilespmem:$0x18100] =	vst v63  }
0x30: {  	_ =	swait.ge [sflag:s17], $0x4000  }
0x31: {  	s28 =	simm.s32 $0x40;
	s26 =	simm.s32 $0x20;
	[sflag:s17] =	ssyncset.done $0x0  }
.LBB2_2:
0x32: {  	s29 =	sadd.s32 s26, s15  }
0x33: {  	[sflag:s17] =	ssyncadd.s32 $0xFFFFC000;
	s30 =	smov.u32 s28;
	s31 =	sadd.s32 $0x20, s28  }
0x34: {  	[tilespmem:s20], [sflag:$0x2] =	stream.linear.gather [hbm4b:s29+s3], $0x80, $0x200038;
	[tilespmem:$0x18100] =	vst v63  }
0x35: {  	p0 =	sne.s32 s28, $0x4A0;
	_ =	swait.ge [sflag:s21], $0x80  }
0x36: {  	[sflag:s21] =	ssyncset.done $0x0  }
0x37: {  	[sflag:s21] =	ssyncadd.s32 $0xFFFFFF80  }
0x38: {  	[spmem:s2] =	stream.indirect.scatter.add.f32 [tilespmem:s18], [sflag:$0x3], $0x80, s19, s22, $0x2000b8;
	[tilespmem:$0x18100] =	vst v63  }
0x39: {  	_ =	swait.ge [sflag:s17], $0x4000  }
0x3a: {  	[sflag:s17] =	ssyncset.done $0x0  }
0x3b: {  	s28 =	sadd.s32 s26, s14;
	s26 =	smov.u32 s30;
	[sflag:s17] =	ssyncadd.s32 $0xFFFFC000  }
0x3c: {  	[tilespmem:s19], [sflag:$0x1] =	stream.linear.gather [hbm4b:s28+s3], $0x80, $0x200038;
	[tilespmem:$0x18100] =	vst v63  }
0x3d: {  	_ =	swait.ge [sflag:s23], $0x80  }
.Ltmp0:
0x3e: {  	[sflag:s23] =	ssyncset.done $0x0;
	(pc) =	sbr.rel @p0 .LBB2_2-.Ltmp0, $4  }
0x3f: {  	[sflag:s23] =	ssyncadd.s32 $0xFFFFFF80  }
0x40: {  	[spmem:s2] =	stream.indirect.scatter.add.f32 [tilespmem:s18], [sflag:$0x3], $0x80, s20, s22, $0x2000b8;
	[tilespmem:$0x18100] =	vst v63  }
0x41: {  	_ =	swait.ge [sflag:s17], $0x4000  }
0x42: {  	s28 =	smov.u32 s31;
	[sflag:s17] =	ssyncset.done $0x0  }
0x43: {  	s28 =	sadd.s32 s26, s15;
	[sflag:s17] =	ssyncadd.s32 $0xFFFFC000  }
0x44: {  	[tilespmem:s20], [sflag:$0x2] =	stream.linear.gather [hbm4b:s28+s3], $0x80, $0x200038;
	[tilespmem:$0x18100] =	vst v63  }
0x45: {  	_ =	swait.ge [sflag:s21], $0x80  }
0x46: {  	[sflag:s21] =	ssyncset.done $0x0  }
0x47: {  	[sflag:s21] =	ssyncadd.s32 $0xFFFFFF80  }
0x48: {  	[spmem:s2] =	stream.indirect.scatter.add.f32 [tilespmem:s18], [sflag:$0x3], $0x80, s19, s22, $0x2000b8;
	[tilespmem:$0x18100] =	vst v63  }
0x49: {  	_ =	swait.ge [sflag:s17], $0x4000  }
0x4a: {  	[sflag:s17] =	ssyncset.done $0x0  }
0x4b: {  	s31 =	sadd.s32 s26, s14;
	[sflag:s17] =	ssyncadd.s32 $0xFFFFC000  }
0x4c: {  	[tilespmem:s19], [sflag:$0x1] =	stream.linear.gather [hbm4b:s31+s3], $0x80, $0x200038;
	[tilespmem:$0x18100] =	vst v63  }
0x4d: {  	_ =	swait.ge [sflag:s23], $0x80  }
0x4e: {  	[sflag:s23] =	ssyncset.done $0x0  }
0x4f: {  	[sflag:s23] =	ssyncadd.s32 $0xFFFFFF80  }
0x50: {  	[spmem:s2] =	stream.indirect.scatter.add.f32 [tilespmem:s18], [sflag:$0x3], $0x80, s20, s22, $0x2000b8;
	[tilespmem:$0x18100] =	vst v63  }
0x51: {  	_ =	swait.ge [sflag:s17], $0x4000  }
0x52: {  	[sflag:s17] =	ssyncset.done $0x0  }
0x53: {  	[sflag:s17] =	ssyncadd.s32 $0xFFFFC000  }
0x54: {  	[tilespmem:s20], [sflag:$0x2] =	stream.linear.gather [hbm4b:s13+s3], $0x80, $0x200038;
	[tilespmem:$0x18100] =	vst v63  }
0x55: {  	_ =	swait.ge [sflag:s21], $0x80  }
0x56: {  	[sflag:s21] =	ssyncset.done $0x0  }
0x57: {  	[sflag:s21] =	ssyncadd.s32 $0xFFFFFF80  }
0x58: {  	[spmem:s2] =	stream.indirect.scatter.add.f32 [tilespmem:s18], [sflag:$0x3], $0x80, s19, s22, $0x2000b8;
	[tilespmem:$0x18100] =	vst v63  }
0x59: {  	_ =	swait.ge [sflag:s17], $0x4000  }
0x5a: {  	[sflag:s17] =	ssyncset.done $0x0  }
0x5b: {  	[sflag:s17] =	ssyncadd.s32 $0xFFFFC000  }
0x5c: {  	[tilespmem:s19], [sflag:$0x1] =	stream.linear.gather [hbm4b:s9+s3], $0x10, $0x200038;
	[tilespmem:$0x18100] =	vst v63  }
0x5d: {  	_ = 	snop  }
0x5e: {  	[tilespmem:s24], [sflag:$0x1] =	stream.linear.gather [hbm4b:s10+s3], $0x70, $0x200038;
	[tilespmem:$0x18100] =	vst v63  }
0x5f: {  	_ =	swait.ge [sflag:s23], $0x80  }
0x60: {  	[sflag:s23] =	ssyncset.done $0x0  }
0x61: {  	[sflag:s23] =	ssyncadd.s32 $0xFFFFFF80  }
0x62: {  	[spmem:s2] =	stream.indirect.scatter.add.f32 [tilespmem:s18], [sflag:$0x3], $0x80, s20, s22, $0x2000b8;
	[tilespmem:$0x18100] =	vst v63  }
0x63: {  	_ =	swait.ge [sflag:s17], $0x4000  }
0x64: {  	[sflag:s17] =	ssyncset.done $0x0  }
0x65: {  	[sflag:s17] =	ssyncadd.s32 $0xFFFFC000  }
0x66: {  	[tilespmem:s20], [sflag:$0x2] =	stream.linear.gather [hbm4b:s8+s3], $0x80, $0x200038;
	[tilespmem:$0x18100] =	vst v63  }
0x67: {  	_ =	swait.ge [sflag:s21], $0x80  }
0x68: {  	[sflag:s21] =	ssyncset.done $0x0  }
0x69: {  	[sflag:s21] =	ssyncadd.s32 $0xFFFFFF80  }
0x6a: {  	[spmem:s2] =	stream.indirect.scatter.add.f32 [tilespmem:s18], [sflag:$0x3], $0x80, s19, s22, $0x2000b8;
	[tilespmem:$0x18100] =	vst v63  }
0x6b: {  	_ =	swait.ge [sflag:s17], $0x4000  }
0x6c: {  	[sflag:s17] =	ssyncset.done $0x0  }
0x6d: {  	[sflag:s17] =	ssyncadd.s32 $0xFFFFC000  }
0x6e: {  	_ =	swait.ge [sflag:s23], $0x80  }
0x6f: {  	[sflag:s23] =	ssyncset.done $0x0  }
0x70: {  	[sflag:s23] =	ssyncadd.s32 $0xFFFFFF80  }
0x71: {  	[spmem:s2] =	stream.indirect.scatter.add.f32 [tilespmem:s18], [sflag:$0x3], $0x80, s20, s22, $0x2000b8;
	[tilespmem:$0x18100] =	vst v63  }
0x72: {  	_ =	swait.ge [sflag:s17], $0x4000  }
0x73: {  	[sflag:s17] =	ssyncset.done $0x0  }
0x74: {  	s25 =	sadd.s32 $0x1, s25;
	[sflag:s17] =	ssyncadd.s32 $0xFFFFC000  }
0x75: {  	p0 =	sne.s32 s25, s12;
	_ =	strace $0x9000004C  }
.Ltmp1:
0x76: {  	[bflag:$0x0] =	sbarrier.arrive $0xFFFF;
	(pc) =	sbr.rel @p0 .LBB2_1-.Ltmp1, $4  }
0x77: {  	[hbm:s11], [sflag:s6] =	dma.local [spmem:s16], $0x2800  }
0x78: {  	_ =	swait.ge [sflag:s17], $0x2800  }
0x79: {  	[sflag:s17] =	ssyncset.done $0x0  }
0x7a: {  	[sflag:s17] =	ssyncadd.s32 $0xFFFFD800  }
0x7b: {  	_ =	sfence.sel $0x180000  }
0x7c: {  	[bflag:$0x0] =	sbarrier.arrive $0xFFFF  }
0x7d: {  	p0 =	sne.s32 s1, $0x0;
	_ =	strace $0x9000004B  }
0x7e: {  	s0 =	sadd.s32 @!p0 $0x100000, s0;
	[bflag:$0x2] =	sbarrier.arrive $0xFFFF  }
0x7f: {  	[sflag:s0] =	ssyncadd.tile.s32 @!p0 $0x1;
	_ =	shalt  }
.Lfunc_end2:
_tile_overlayer_lowered:
.L_overlay_start_2:
0x80: {  	(tag) =	ssettag $0x2  }
0x81: {  	s0 =	rddreg [dreg:$0x0];
	s2 =	stileid.u32  }
0x82: {  	s1 =	rddreg [dreg:$0x1];
	p0 =	sne.s32 s2, $0x0  }
0x83: {  	s3 =	rddreg [dreg:$0x2];
	[bflag:$0x3] =	sbarrier.arrive $0xFFFF;
	s2 =	simm.s32 @!p0 $0x1C03  }
0x84: {  	[timem:s3], [sflag:s2] =	dma.local @!p0 [hbm:s0], s1  }
0x85: {  	s0 =	simm.s32 @!p0 $0x3  }
0x86: {  	_ =	swait.ge @!p0 [sflag:s0], s1  }
0x87: {  	s1 =	ssub.s32 @!p0 $0x0, s1;
	[sflag:s0] =	ssyncset.done @!p0 $0x0  }
0x88: {  	[sflag:s0] =	ssyncadd.s32 @!p0 s1  }
0x89: {  	[bflag:$0x3] =	sbarrier.arrive $0xFFFF  }
0x8a: {  	_ =	shalt  }

</sc_bundles>
